<compile_context>
chip_gen: v7x
topology: tpu7x:2x2x1
jax: 0.10.2.dev20260603
libtpu: 0.0.44.dev20260713+nightly
codegen_flags: <defaults>
</compile_context>

<pallas_src>
import functools

import jax
import jax.numpy as jnp
from jax import lax
from jax.experimental import pallas as pl
from jax.experimental.pallas import tpu as pltpu
from jax.experimental.pallas import tpu_sc as plsc

_TOPK = 2
_ALPHA = 0.001
_NW = 32
_L = 16


def _proj_softmax_kernel(hs_ref, w_ref, sc_ref):
    hs = hs_ref[...]
    w = w_ref[...]
    logits = lax.dot_general(hs, w, (((1,), (1,)), ((), ())),
                             preferred_element_type=jnp.float32)
    m = jnp.max(logits, axis=-1, keepdims=True)
    unnorm = jnp.exp(logits - m)
    sc_ref[...] = unnorm / jnp.sum(unnorm, axis=-1, keepdims=True)


def _make_sc_router(n_tok, n_experts):
    chunk = n_tok // _NW
    groups = chunk // _L
    mesh = plsc.VectorSubcoreMesh(core_axis_name="c", subcore_axis_name="s")

    @functools.partial(
        pl.kernel, mesh=mesh,
        compiler_params=pltpu.CompilerParams(needs_layout_passes=False),
        out_type=(
            jax.ShapeDtypeStruct((n_tok * _TOPK,), jnp.int32),
            jax.ShapeDtypeStruct((n_tok * _TOPK,), jnp.float32),
            jax.ShapeDtypeStruct((_NW, n_experts, _L), jnp.float32),
            jax.ShapeDtypeStruct((_NW, n_experts, _L), jnp.float32),
        ),
        scratch_types=[
            pltpu.VMEM((chunk * n_experts,), jnp.float32),
            pltpu.VMEM((chunk * _TOPK,), jnp.int32),
            pltpu.VMEM((chunk * _TOPK,), jnp.float32),
            pltpu.VMEM((n_experts, _L), jnp.float32),
            pltpu.VMEM((n_experts, _L), jnp.float32),
        ],
    )
    def _router(sc_hbm, idx_hbm, wgt_hbm, ce_hbm, ss_hbm,
                sc_v, idx_v, wgt_v, ce_b, ss_b):
        wid = lax.axis_index("s") * 2 + lax.axis_index("c")
        base = wid * chunk
        pltpu.sync_copy(sc_hbm.at[pl.ds(base * n_experts, chunk * n_experts)],
                        sc_v)

        zf = jnp.zeros((_L,), jnp.float32)
        init = tuple([zf] * n_experts) + tuple([zf] * n_experts)

        def body(g, acc):
            cacc = list(acc[:n_experts])
            sacc = list(acc[n_experts:])
            toks = g * _L + lax.iota(jnp.int32, _L)
            s = [plsc.load_gather(sc_v, [toks * n_experts + e])
                 for e in range(n_experts)]
            m1 = s[0]
            i1 = jnp.zeros((_L,), jnp.int32)
            for e in range(1, n_experts):
                take = s[e] > m1
                m1 = jnp.where(take, s[e], m1)
                i1 = jnp.where(take, e, i1)
            m2 = jnp.full((_L,), -1.0, jnp.float32)
            i2 = jnp.zeros((_L,), jnp.int32)
            for e in range(n_experts):
                take = (s[e] > m2) & (i1 != e)
                m2 = jnp.where(take, s[e], m2)
                i2 = jnp.where(take, e, i2)
            den = m1 + m2 + 1e-20
            plsc.store_scatter(idx_v, [toks * 2], i1)
            plsc.store_scatter(idx_v, [toks * 2 + 1], i2)
            plsc.store_scatter(wgt_v, [toks * 2], m1 / den)
            plsc.store_scatter(wgt_v, [toks * 2 + 1], m2 / den)
            for e in range(n_experts):
                cacc[e] = cacc[e] + ((i1 == e).astype(jnp.float32)
                                     + (i2 == e).astype(jnp.float32))
                sacc[e] = sacc[e] + s[e]
            return tuple(cacc) + tuple(sacc)

        acc = lax.fori_loop(0, groups, body, init)
        for e in range(n_experts):
            ce_b[e, :] = acc[e]
            ss_b[e, :] = acc[n_experts + e]
        pltpu.sync_copy(idx_v, idx_hbm.at[pl.ds(base * _TOPK, chunk * _TOPK)])
        pltpu.sync_copy(wgt_v, wgt_hbm.at[pl.ds(base * _TOPK, chunk * _TOPK)])
        pltpu.sync_copy(ce_b, ce_hbm.at[wid])
        pltpu.sync_copy(ss_b, ss_hbm.at[wid])

    return _router


def _aux_kernel(ce_ref, ss_ref, aux_ref, *, bsz, seq_len, n_experts):
    ce_p = ce_ref[...]
    ss_p = ss_ref[...]
    per_b = _NW // bsz
    ce = jnp.sum(ce_p.reshape(bsz, per_b, n_experts, _L), axis=(1, 3))
    ss = jnp.sum(ss_p.reshape(bsz, per_b, n_experts, _L), axis=(1, 3))
    ce = ce * (n_experts / (seq_len * _TOPK))
    mean_scores = ss / seq_len
    aux = jnp.sum(ce * mean_scores) / bsz * _ALPHA
    aux_ref[...] = jnp.broadcast_to(aux, (1, 1))


def kernel(hidden_states, weight):
    bsz, seq_len, dim = hidden_states.shape
    n_experts = weight.shape[0]
    n = bsz * seq_len
    hs = hidden_states.reshape(n, dim)
    tile = 4096

    scores = pl.pallas_call(
        _proj_softmax_kernel,
        grid=(n // tile,),
        in_specs=[
            pl.BlockSpec((tile, dim), lambda i: (i, 0)),
            pl.BlockSpec((n_experts, dim), lambda i: (0, 0)),
        ],
        out_specs=pl.BlockSpec((tile, n_experts), lambda i: (i, 0)),
        out_shape=jax.ShapeDtypeStruct((n, n_experts), jnp.float32),
    )(hs, weight)

    router = _make_sc_router(n, n_experts)
    idx_f, wgt_f, ce_p, ss_p = router(scores.reshape(-1))

    aux = pl.pallas_call(
        functools.partial(_aux_kernel, bsz=bsz, seq_len=seq_len,
                          n_experts=n_experts),
        out_shape=jax.ShapeDtypeStruct((1, 1), jnp.float32),
    )(ce_p, ss_p)

    return (idx_f.reshape(n, _TOPK), wgt_f.reshape(n, _TOPK), aux[0, 0])

# --- scband reference (transcript-rebuilt; emitter-appended) ---
"""Pipeline reference for scband-mo-egate-1108101562792 (READ-ONLY COPY).

The authoritative reference and input builder live on the scoring server;
editing this copy changes nothing except your own understanding.
"""

import jax, jax.numpy as jnp
import numpy as np

TOP_K = 2
NUM_EXPERTS = 8
DIM = 768
ALPHA = 0.001
BSZ = 4
SEQ = 8192


def setup_inputs(seed: int = 0) -> dict:
    key = jax.random.key(seed)
    k1, k2 = jax.random.split(key)
    hidden_states = jax.random.normal(k1, (BSZ, SEQ, DIM), dtype=jnp.float32)
    # kaiming_uniform_(a=sqrt(5)) on (E, dim) -> bound = 1/sqrt(dim)
    bound = 1.0 / np.sqrt(DIM)
    weight = jax.random.uniform(k2, (NUM_EXPERTS, DIM), dtype=jnp.float32, minval=-bound, maxval=bound)
    return {"hidden_states": hidden_states, "weight": weight}


def reference(hidden_states, weight):
    bsz, seq_len, h = hidden_states.shape
    hs = hidden_states.reshape(-1, h)
    logits = hs @ weight.T
    scores = jax.nn.softmax(logits, axis=-1)
    topk_weight, topk_idx = jax.lax.top_k(scores, TOP_K)
    # norm_topk_prob (top_k > 1)
    denominator = topk_weight.sum(axis=-1, keepdims=True) + 1e-20
    topk_weight = topk_weight / denominator
    # training aux loss (seq_aux=True)
    topk_idx_for_aux = topk_idx.reshape(bsz, -1)
    scores_for_seq_aux = scores.reshape(bsz, seq_len, -1)
    rows = jnp.arange(bsz)[:, None]
    ce = jnp.zeros((bsz, NUM_EXPERTS), dtype=jnp.float32)
    ce = ce.at[rows, topk_idx_for_aux].add(1.0)
    ce = ce / (seq_len * TOP_K / NUM_EXPERTS)
    aux_loss = (ce * scores_for_seq_aux.mean(axis=1)).sum(axis=1).mean() * ALPHA
    return (topk_idx, topk_weight, aux_loss)

if __name__ == "__main__":
    import jax
    _d = setup_inputs()
    print(jax.jit(kernel)(*tuple(_d.values())))

</pallas_src>

<mosaic_0001>
#map = affine_map<(d0, d1) -> (0)>
#map1 = affine_map<(d0, d1) -> (0, 0, 0)>
module attributes {stable_mosaic.version = 14 : i64} {
  func.func @_router(%arg0: i32, %arg1: i32, %arg2: memref<262144xf32, #tpu.memory_space<hbm>>, %arg3: memref<65536xi32, #tpu.memory_space<hbm>>, %arg4: memref<65536xf32, #tpu.memory_space<hbm>>, %arg5: memref<32x8x16xf32, #tpu.memory_space<hbm>>, %arg6: memref<32x8x16xf32, #tpu.memory_space<hbm>>, %arg7: memref<8192xf32, #tpu.memory_space<vmem>>, %arg8: memref<2048xi32, #tpu.memory_space<vmem>>, %arg9: memref<2048xf32, #tpu.memory_space<vmem>>, %arg10: memref<8x16xf32, #tpu.memory_space<vmem>>, %arg11: memref<8x16xf32, #tpu.memory_space<vmem>>) attributes {dimension_semantics = [#tpu.dimension_semantics<core_parallel>, #tpu.dimension_semantics<subcore_parallel>], iteration_bounds = array<i64: 2, 16>, scalar_prefetch = 0 : i64, scratch_operands = 5 : i64, tpu.core_type = #tpu.core_type<sc_vector_subcore>, window_params = [{transform_indices = #map}, {transform_indices = #map}, {transform_indices = #map}, {transform_indices = #map1}, {transform_indices = #map1}]} {
    %mul3A = arith.constant 2 : i32
    %mul3A_0 = arith.muli %arg1, %mul3A : i32
    %add3A = arith.addi %mul3A_0, %arg0 : i32
    %mul3A_1 = arith.constant 1024 : i32
    %mul3A_2 = arith.muli %add3A, %mul3A_1 : i32
    %mul3A_3 = arith.constant 8 : i32
    %mul3A_4 = arith.muli %mul3A_2, %mul3A_3 : i32
    "tpu.region"() ({
      %run_scoped3A = tpu.sem_alloc : memref<!tpu.dma_semaphore, #tpu.memory_space<semaphore_mem>>
      %dma_start3A = tpu.memref_slice %arg2[%mul3A_4] : memref<262144xf32, #tpu.memory_space<hbm>> -> memref<8192xf32, #tpu.memory_space<hbm>>
      %dma_start3A_78 = tpu.memref_slice %arg2[%mul3A_4] : memref<262144xf32, #tpu.memory_space<hbm>> -> memref<8192xf32, #tpu.memory_space<hbm>>
      tpu.enqueue_dma source(%dma_start3A_78 : memref<8192xf32, #tpu.memory_space<hbm>>) target(%arg7 : memref<8192xf32, #tpu.memory_space<vmem>>) target_semaphore(%run_scoped3A : memref<!tpu.dma_semaphore, #tpu.memory_space<semaphore_mem>>)
      %dma_wait3A = tpu.memref_slice %arg2[%mul3A_4] : memref<262144xf32, #tpu.memory_space<hbm>> -> memref<8192xf32, #tpu.memory_space<hbm>>
      %dma_wait3A_79 = tpu.memref_slice %arg2[%mul3A_4] : memref<262144xf32, #tpu.memory_space<hbm>> -> memref<8192xf32, #tpu.memory_space<hbm>>
      tpu.wait_dma2 semaphore(%run_scoped3A : memref<!tpu.dma_semaphore, #tpu.memory_space<semaphore_mem>>) src(%dma_wait3A_79 : memref<8192xf32, #tpu.memory_space<hbm>>) dst(%arg7 : memref<8192xf32, #tpu.memory_space<vmem>>)
      tpu.yield
    }) : () -> ()
    %broadcast_in_dim3A = arith.constant 0.000000e+00 : f32
    %broadcast_in_dim3A_5 = vector.broadcast %broadcast_in_dim3A : f32 to vector<16xf32>
    %scan3A = arith.constant 0 : i32
    %scan3A_6 = arith.constant 64 : i32
    %scan3A_7 = arith.addi %scan3A, %scan3A_6 : i32
    %scan3A_8 = arith.constant 1 : i32
    %scan3A_9:16 = scf.for %scan3A_78 = %scan3A to %scan3A_7 step %scan3A_8 iter_args(%scan3A_79 = %broadcast_in_dim3A_5, %scan3A_80 = %broadcast_in_dim3A_5, %scan3A_81 = %broadcast_in_dim3A_5, %scan3A_82 = %broadcast_in_dim3A_5, %scan3A_83 = %broadcast_in_dim3A_5, %scan3A_84 = %broadcast_in_dim3A_5, %scan3A_85 = %broadcast_in_dim3A_5, %scan3A_86 = %broadcast_in_dim3A_5, %scan3A_87 = %broadcast_in_dim3A_5, %scan3A_88 = %broadcast_in_dim3A_5, %scan3A_89 = %broadcast_in_dim3A_5, %scan3A_90 = %broadcast_in_dim3A_5, %scan3A_91 = %broadcast_in_dim3A_5, %scan3A_92 = %broadcast_in_dim3A_5, %scan3A_93 = %broadcast_in_dim3A_5, %scan3A_94 = %broadcast_in_dim3A_5) -> (vector<16xf32>, vector<16xf32>, vector<16xf32>, vector<16xf32>, vector<16xf32>, vector<16xf32>, vector<16xf32>, vector<16xf32>, vector<16xf32>, vector<16xf32>, vector<16xf32>, vector<16xf32>, vector<16xf32>, vector<16xf32>, vector<16xf32>, vector<16xf32>)  : i32 {
      %mul3A_95 = arith.constant 16 : i32
      %mul3A_96 = arith.muli %scan3A_78, %mul3A_95 : i32
      %iota3A = tpu.iota {dimensions = array<i32: 0>} : vector<16xi32>
      %add3A_97 = vector.broadcast %mul3A_96 : i32 to vector<16xi32>
      %add3A_98 = arith.addi %add3A_97, %iota3A : vector<16xi32>
      %mul3A_99 = arith.constant 8 : i32
      %mul3A_100 = vector.broadcast %mul3A_99 : i32 to vector<16xi32>
      %mul3A_101 = arith.muli %add3A_98, %mul3A_100 : vector<16xi32>
      %add3A_102 = arith.constant 0 : i32
      %add3A_103 = vector.broadcast %add3A_102 : i32 to vector<16xi32>
      %add3A_104 = arith.addi %mul3A_101, %add3A_103 : vector<16xi32>
      %gather3A = tpu.vector_load_idx %arg7[%add3A_104] : memref<8192xf32, #tpu.memory_space<vmem>>[vector<16xi32>], vector<16xf32>,
      %mul3A_105 = arith.constant 8 : i32
      %mul3A_106 = vector.broadcast %mul3A_105 : i32 to vector<16xi32>
      %mul3A_107 = arith.muli %add3A_98, %mul3A_106 : vector<16xi32>
      %add3A_108 = arith.constant 1 : i32
      %add3A_109 = vector.broadcast %add3A_108 : i32 to vector<16xi32>
      %add3A_110 = arith.addi %mul3A_107, %add3A_109 : vector<16xi32>
      %gather3A_111 = tpu.vector_load_idx %arg7[%add3A_110] : memref<8192xf32, #tpu.memory_space<vmem>>[vector<16xi32>], vector<16xf32>,
      %mul3A_112 = arith.constant 8 : i32
      %mul3A_113 = vector.broadcast %mul3A_112 : i32 to vector<16xi32>
      %mul3A_114 = arith.muli %add3A_98, %mul3A_113 : vector<16xi32>
      %add3A_115 = arith.constant 2 : i32
      %add3A_116 = vector.broadcast %add3A_115 : i32 to vector<16xi32>
      %add3A_117 = arith.addi %mul3A_114, %add3A_116 : vector<16xi32>
      %gather3A_118 = tpu.vector_load_idx %arg7[%add3A_117] : memref<8192xf32, #tpu.memory_space<vmem>>[vector<16xi32>], vector<16xf32>,
      %mul3A_119 = arith.constant 8 : i32
      %mul3A_120 = vector.broadcast %mul3A_119 : i32 to vector<16xi32>
      %mul3A_121 = arith.muli %add3A_98, %mul3A_120 : vector<16xi32>
      %add3A_122 = arith.constant 3 : i32
      %add3A_123 = vector.broadcast %add3A_122 : i32 to vector<16xi32>
      %add3A_124 = arith.addi %mul3A_121, %add3A_123 : vector<16xi32>
      %gather3A_125 = tpu.vector_load_idx %arg7[%add3A_124] : memref<8192xf32, #tpu.memory_space<vmem>>[vector<16xi32>], vector<16xf32>,
      %mul3A_126 = arith.constant 8 : i32
      %mul3A_127 = vector.broadcast %mul3A_126 : i32 to vector<16xi32>
      %mul3A_128 = arith.muli %add3A_98, %mul3A_127 : vector<16xi32>
      %add3A_129 = arith.constant 4 : i32
      %add3A_130 = vector.broadcast %add3A_129 : i32 to vector<16xi32>
      %add3A_131 = arith.addi %mul3A_128, %add3A_130 : vector<16xi32>
      %gather3A_132 = tpu.vector_load_idx %arg7[%add3A_131] : memref<8192xf32, #tpu.memory_space<vmem>>[vector<16xi32>], vector<16xf32>,
      %mul3A_133 = arith.constant 8 : i32
      %mul3A_134 = vector.broadcast %mul3A_133 : i32 to vector<16xi32>
      %mul3A_135 = arith.muli %add3A_98, %mul3A_134 : vector<16xi32>
      %add3A_136 = arith.constant 5 : i32
      %add3A_137 = vector.broadcast %add3A_136 : i32 to vector<16xi32>
      %add3A_138 = arith.addi %mul3A_135, %add3A_137 : vector<16xi32>
      %gather3A_139 = tpu.vector_load_idx %arg7[%add3A_138] : memref<8192xf32, #tpu.memory_space<vmem>>[vector<16xi32>], vector<16xf32>,
      %mul3A_140 = arith.constant 8 : i32
      %mul3A_141 = vector.broadcast %mul3A_140 : i32 to vector<16xi32>
      %mul3A_142 = arith.muli %add3A_98, %mul3A_141 : vector<16xi32>
      %add3A_143 = arith.constant 6 : i32
      %add3A_144 = vector.broadcast %add3A_143 : i32 to vector<16xi32>
      %add3A_145 = arith.addi %mul3A_142, %add3A_144 : vector<16xi32>
      %gather3A_146 = tpu.vector_load_idx %arg7[%add3A_145] : memref<8192xf32, #tpu.memory_space<vmem>>[vector<16xi32>], vector<16xf32>,
      %mul3A_147 = arith.constant 8 : i32
      %mul3A_148 = vector.broadcast %mul3A_147 : i32 to vector<16xi32>
      %mul3A_149 = arith.muli %add3A_98, %mul3A_148 : vector<16xi32>
      %add3A_150 = arith.constant 7 : i32
      %add3A_151 = vector.broadcast %add3A_150 : i32 to vector<16xi32>
      %add3A_152 = arith.addi %mul3A_149, %add3A_151 : vector<16xi32>
      %gather3A_153 = tpu.vector_load_idx %arg7[%add3A_152] : memref<8192xf32, #tpu.memory_space<vmem>>[vector<16xi32>], vector<16xf32>,
      %broadcast_in_dim3A_154 = arith.constant 0 : i32
      %broadcast_in_dim3A_155 = vector.broadcast %broadcast_in_dim3A_154 : i32 to vector<16xi32>
      %gt3A = arith.cmpf ogt, %gather3A_111, %gather3A : vector<16xf32>
      %select_n3A = arith.select %gt3A, %gather3A_111, %gather3A : vector<16xi1>, vector<16xf32>
      %jit3A = arith.constant 1 : i32
      %broadcast_in_dim3A_156 = vector.broadcast %jit3A : i32 to vector<16xi32>
      %select_n3A_157 = arith.select %gt3A, %broadcast_in_dim3A_156, %broadcast_in_dim3A_155 : vector<16xi1>, vector<16xi32>
      %gt3A_158 = arith.cmpf ogt, %gather3A_118, %select_n3A : vector<16xf32>
      %select_n3A_159 = arith.select %gt3A_158, %gather3A_118, %select_n3A : vector<16xi1>, vector<16xf32>
      %jit3A_160 = arith.constant 2 : i32
      %broadcast_in_dim3A_161 = vector.broadcast %jit3A_160 : i32 to vector<16xi32>
      %select_n3A_162 = arith.select %gt3A_158, %broadcast_in_dim3A_161, %select_n3A_157 : vector<16xi1>, vector<16xi32>
      %gt3A_163 = arith.cmpf ogt, %gather3A_125, %select_n3A_159 : vector<16xf32>
      %select_n3A_164 = arith.select %gt3A_163, %gather3A_125, %select_n3A_159 : vector<16xi1>, vector<16xf32>
      %jit3A_165 = arith.constant 3 : i32
      %broadcast_in_dim3A_166 = vector.broadcast %jit3A_165 : i32 to vector<16xi32>
      %select_n3A_167 = arith.select %gt3A_163, %broadcast_in_dim3A_166, %select_n3A_162 : vector<16xi1>, vector<16xi32>
      %gt3A_168 = arith.cmpf ogt, %gather3A_132, %select_n3A_164 : vector<16xf32>
      %select_n3A_169 = arith.select %gt3A_168, %gather3A_132, %select_n3A_164 : vector<16xi1>, vector<16xf32>
      %jit3A_170 = arith.constant 4 : i32
      %broadcast_in_dim3A_171 = vector.broadcast %jit3A_170 : i32 to vector<16xi32>
      %select_n3A_172 = arith.select %gt3A_168, %broadcast_in_dim3A_171, %select_n3A_167 : vector<16xi1>, vector<16xi32>
      %gt3A_173 = arith.cmpf ogt, %gather3A_139, %select_n3A_169 : vector<16xf32>
      %select_n3A_174 = arith.select %gt3A_173, %gather3A_139, %select_n3A_169 : vector<16xi1>, vector<16xf32>
      %jit3A_175 = arith.constant 5 : i32
      %broadcast_in_dim3A_176 = vector.broadcast %jit3A_175 : i32 to vector<16xi32>
      %select_n3A_177 = arith.select %gt3A_173, %broadcast_in_dim3A_176, %select_n3A_172 : vector<16xi1>, vector<16xi32>
      %gt3A_178 = arith.cmpf ogt, %gather3A_146, %select_n3A_174 : vector<16xf32>
      %select_n3A_179 = arith.select %gt3A_178, %gather3A_146, %select_n3A_174 : vector<16xi1>, vector<16xf32>
      %jit3A_180 = arith.constant 6 : i32
      %broadcast_in_dim3A_181 = vector.broadcast %jit3A_180 : i32 to vector<16xi32>
      %select_n3A_182 = arith.select %gt3A_178, %broadcast_in_dim3A_181, %select_n3A_177 : vector<16xi1>, vector<16xi32>
      %gt3A_183 = arith.cmpf ogt, %gather3A_153, %select_n3A_179 : vector<16xf32>
      %select_n3A_184 = arith.select %gt3A_183, %gather3A_153, %select_n3A_179 : vector<16xi1>, vector<16xf32>
      %jit3A_185 = arith.constant 7 : i32
      %broadcast_in_dim3A_186 = vector.broadcast %jit3A_185 : i32 to vector<16xi32>
      %select_n3A_187 = arith.select %gt3A_183, %broadcast_in_dim3A_186, %select_n3A_182 : vector<16xi1>, vector<16xi32>
      %broadcast_in_dim3A_188 = arith.constant -1.000000e+00 : f32
      %broadcast_in_dim3A_189 = vector.broadcast %broadcast_in_dim3A_188 : f32 to vector<16xf32>
      %broadcast_in_dim3A_190 = arith.constant 0 : i32
      %broadcast_in_dim3A_191 = vector.broadcast %broadcast_in_dim3A_190 : i32 to vector<16xi32>
      %gt3A_192 = arith.cmpf ogt, %gather3A, %broadcast_in_dim3A_189 : vector<16xf32>
      %ne3A = arith.constant 0 : i32
      %ne3A_193 = vector.broadcast %ne3A : i32 to vector<16xi32>
      %ne3A_194 = arith.cmpi ne, %select_n3A_187, %ne3A_193 : vector<16xi32>
      %and3A = arith.andi %gt3A_192, %ne3A_194 : vector<16xi1>
      %select_n3A_195 = arith.select %and3A, %gather3A, %broadcast_in_dim3A_189 : vector<16xi1>, vector<16xf32>
      %jit3A_196 = arith.constant 0 : i32
      %broadcast_in_dim3A_197 = vector.broadcast %jit3A_196 : i32 to vector<16xi32>
      %select_n3A_198 = arith.select %and3A, %broadcast_in_dim3A_197, %broadcast_in_dim3A_191 : vector<16xi1>, vector<16xi32>
      %gt3A_199 = arith.cmpf ogt, %gather3A_111, %select_n3A_195 : vector<16xf32>
      %ne3A_200 = arith.constant 1 : i32
      %ne3A_201 = vector.broadcast %ne3A_200 : i32 to vector<16xi32>
      %ne3A_202 = arith.cmpi ne, %select_n3A_187, %ne3A_201 : vector<16xi32>
      %and3A_203 = arith.andi %gt3A_199, %ne3A_202 : vector<16xi1>
      %select_n3A_204 = arith.select %and3A_203, %gather3A_111, %select_n3A_195 : vector<16xi1>, vector<16xf32>
      %jit3A_205 = arith.constant 1 : i32
      %broadcast_in_dim3A_206 = vector.broadcast %jit3A_205 : i32 to vector<16xi32>
      %select_n3A_207 = arith.select %and3A_203, %broadcast_in_dim3A_206, %select_n3A_198 : vector<16xi1>, vector<16xi32>
      %gt3A_208 = arith.cmpf ogt, %gather3A_118, %select_n3A_204 : vector<16xf32>
      %ne3A_209 = arith.constant 2 : i32
      %ne3A_210 = vector.broadcast %ne3A_209 : i32 to vector<16xi32>
      %ne3A_211 = arith.cmpi ne, %select_n3A_187, %ne3A_210 : vector<16xi32>
      %and3A_212 = arith.andi %gt3A_208, %ne3A_211 : vector<16xi1>
      %select_n3A_213 = arith.select %and3A_212, %gather3A_118, %select_n3A_204 : vector<16xi1>, vector<16xf32>
      %jit3A_214 = arith.constant 2 : i32
      %broadcast_in_dim3A_215 = vector.broadcast %jit3A_214 : i32 to vector<16xi32>
      %select_n3A_216 = arith.select %and3A_212, %broadcast_in_dim3A_215, %select_n3A_207 : vector<16xi1>, vector<16xi32>
      %gt3A_217 = arith.cmpf ogt, %gather3A_125, %select_n3A_213 : vector<16xf32>
      %ne3A_218 = arith.constant 3 : i32
      %ne3A_219 = vector.broadcast %ne3A_218 : i32 to vector<16xi32>
      %ne3A_220 = arith.cmpi ne, %select_n3A_187, %ne3A_219 : vector<16xi32>
      %and3A_221 = arith.andi %gt3A_217, %ne3A_220 : vector<16xi1>
      %select_n3A_222 = arith.select %and3A_221, %gather3A_125, %select_n3A_213 : vector<16xi1>, vector<16xf32>
      %jit3A_223 = arith.constant 3 : i32
      %broadcast_in_dim3A_224 = vector.broadcast %jit3A_223 : i32 to vector<16xi32>
      %select_n3A_225 = arith.select %and3A_221, %broadcast_in_dim3A_224, %select_n3A_216 : vector<16xi1>, vector<16xi32>
      %gt3A_226 = arith.cmpf ogt, %gather3A_132, %select_n3A_222 : vector<16xf32>
      %ne3A_227 = arith.constant 4 : i32
      %ne3A_228 = vector.broadcast %ne3A_227 : i32 to vector<16xi32>
      %ne3A_229 = arith.cmpi ne, %select_n3A_187, %ne3A_228 : vector<16xi32>
      %and3A_230 = arith.andi %gt3A_226, %ne3A_229 : vector<16xi1>
      %select_n3A_231 = arith.select %and3A_230, %gather3A_132, %select_n3A_222 : vector<16xi1>, vector<16xf32>
      %jit3A_232 = arith.constant 4 : i32
      %broadcast_in_dim3A_233 = vector.broadcast %jit3A_232 : i32 to vector<16xi32>
      %select_n3A_234 = arith.select %and3A_230, %broadcast_in_dim3A_233, %select_n3A_225 : vector<16xi1>, vector<16xi32>
      %gt3A_235 = arith.cmpf ogt, %gather3A_139, %select_n3A_231 : vector<16xf32>
      %ne3A_236 = arith.constant 5 : i32
      %ne3A_237 = vector.broadcast %ne3A_236 : i32 to vector<16xi32>
      %ne3A_238 = arith.cmpi ne, %select_n3A_187, %ne3A_237 : vector<16xi32>
      %and3A_239 = arith.andi %gt3A_235, %ne3A_238 : vector<16xi1>
      %select_n3A_240 = arith.select %and3A_239, %gather3A_139, %select_n3A_231 : vector<16xi1>, vector<16xf32>
      %jit3A_241 = arith.constant 5 : i32
      %broadcast_in_dim3A_242 = vector.broadcast %jit3A_241 : i32 to vector<16xi32>
      %select_n3A_243 = arith.select %and3A_239, %broadcast_in_dim3A_242, %select_n3A_234 : vector<16xi1>, vector<16xi32>
      %gt3A_244 = arith.cmpf ogt, %gather3A_146, %select_n3A_240 : vector<16xf32>
      %ne3A_245 = arith.constant 6 : i32
      %ne3A_246 = vector.broadcast %ne3A_245 : i32 to vector<16xi32>
      %ne3A_247 = arith.cmpi ne, %select_n3A_187, %ne3A_246 : vector<16xi32>
      %and3A_248 = arith.andi %gt3A_244, %ne3A_247 : vector<16xi1>
      %select_n3A_249 = arith.select %and3A_248, %gather3A_146, %select_n3A_240 : vector<16xi1>, vector<16xf32>
      %jit3A_250 = arith.constant 6 : i32
      %broadcast_in_dim3A_251 = vector.broadcast %jit3A_250 : i32 to vector<16xi32>
      %select_n3A_252 = arith.select %and3A_248, %broadcast_in_dim3A_251, %select_n3A_243 : vector<16xi1>, vector<16xi32>
      %gt3A_253 = arith.cmpf ogt, %gather3A_153, %select_n3A_249 : vector<16xf32>
      %ne3A_254 = arith.constant 7 : i32
      %ne3A_255 = vector.broadcast %ne3A_254 : i32 to vector<16xi32>
      %ne3A_256 = arith.cmpi ne, %select_n3A_187, %ne3A_255 : vector<16xi32>
      %and3A_257 = arith.andi %gt3A_253, %ne3A_256 : vector<16xi1>
      %select_n3A_258 = arith.select %and3A_257, %gather3A_153, %select_n3A_249 : vector<16xi1>, vector<16xf32>
      %jit3A_259 = arith.constant 7 : i32
      %broadcast_in_dim3A_260 = vector.broadcast %jit3A_259 : i32 to vector<16xi32>
      %select_n3A_261 = arith.select %and3A_257, %broadcast_in_dim3A_260, %select_n3A_252 : vector<16xi1>, vector<16xi32>
      %add3A_262 = arith.addf %select_n3A_184, %select_n3A_258 : vector<16xf32>
      %add3A_263 = arith.constant 9.99999968E-21 : f32
      %add3A_264 = vector.broadcast %add3A_263 : f32 to vector<16xf32>
      %add3A_265 = arith.addf %add3A_262, %add3A_264 : vector<16xf32>
      %mul3A_266 = arith.constant 2 : i32
      %mul3A_267 = vector.broadcast %mul3A_266 : i32 to vector<16xi32>
      %mul3A_268 = arith.muli %add3A_98, %mul3A_267 : vector<16xi32>
      tpu.vector_store_idx %arg8[%mul3A_268], %select_n3A_187 : memref<2048xi32, #tpu.memory_space<vmem>>[vector<16xi32>], vector<16xi32>,
      %mul3A_269 = arith.constant 2 : i32
      %mul3A_270 = vector.broadcast %mul3A_269 : i32 to vector<16xi32>
      %mul3A_271 = arith.muli %add3A_98, %mul3A_270 : vector<16xi32>
      %add3A_272 = arith.constant 1 : i32
      %add3A_273 = vector.broadcast %add3A_272 : i32 to vector<16xi32>
      %add3A_274 = arith.addi %mul3A_271, %add3A_273 : vector<16xi32>
      tpu.vector_store_idx %arg8[%add3A_274], %select_n3A_261 : memref<2048xi32, #tpu.memory_space<vmem>>[vector<16xi32>], vector<16xi32>,
      %mul3A_275 = arith.constant 2 : i32
      %mul3A_276 = vector.broadcast %mul3A_275 : i32 to vector<16xi32>
      %mul3A_277 = arith.muli %add3A_98, %mul3A_276 : vector<16xi32>
      %div3A = arith.divf %select_n3A_184, %add3A_265 : vector<16xf32>
      tpu.vector_store_idx %arg9[%mul3A_277], %div3A : memref<2048xf32, #tpu.memory_space<vmem>>[vector<16xi32>], vector<16xf32>,
      %mul3A_278 = arith.constant 2 : i32
      %mul3A_279 = vector.broadcast %mul3A_278 : i32 to vector<16xi32>
      %mul3A_280 = arith.muli %add3A_98, %mul3A_279 : vector<16xi32>
      %add3A_281 = arith.constant 1 : i32
      %add3A_282 = vector.broadcast %add3A_281 : i32 to vector<16xi32>
      %add3A_283 = arith.addi %mul3A_280, %add3A_282 : vector<16xi32>
      %div3A_284 = arith.divf %select_n3A_258, %add3A_265 : vector<16xf32>
      tpu.vector_store_idx %arg9[%add3A_283], %div3A_284 : memref<2048xf32, #tpu.memory_space<vmem>>[vector<16xi32>], vector<16xf32>,
      %eq3A = arith.constant 0 : i32
      %eq3A_285 = vector.broadcast %eq3A : i32 to vector<16xi32>
      %eq3A_286 = arith.cmpi eq, %select_n3A_187, %eq3A_285 : vector<16xi32>
      %convert_element_type3A = arith.extui %eq3A_286 : vector<16xi1> to vector<16xi32>
      %convert_element_type3A_287 = arith.sitofp %convert_element_type3A : vector<16xi32> to vector<16xf32>
      %eq3A_288 = arith.constant 0 : i32
      %eq3A_289 = vector.broadcast %eq3A_288 : i32 to vector<16xi32>
      %eq3A_290 = arith.cmpi eq, %select_n3A_261, %eq3A_289 : vector<16xi32>
      %convert_element_type3A_291 = arith.extui %eq3A_290 : vector<16xi1> to vector<16xi32>
      %convert_element_type3A_292 = arith.sitofp %convert_element_type3A_291 : vector<16xi32> to vector<16xf32>
      %add3A_293 = arith.addf %convert_element_type3A_287, %convert_element_type3A_292 : vector<16xf32>
      %add3A_294 = arith.addf %scan3A_79, %add3A_293 : vector<16xf32>
      %add3A_295 = arith.addf %scan3A_87, %gather3A : vector<16xf32>
      %eq3A_296 = arith.constant 1 : i32
      %eq3A_297 = vector.broadcast %eq3A_296 : i32 to vector<16xi32>
      %eq3A_298 = arith.cmpi eq, %select_n3A_187, %eq3A_297 : vector<16xi32>
      %convert_element_type3A_299 = arith.extui %eq3A_298 : vector<16xi1> to vector<16xi32>
      %convert_element_type3A_300 = arith.sitofp %convert_element_type3A_299 : vector<16xi32> to vector<16xf32>
      %eq3A_301 = arith.constant 1 : i32
      %eq3A_302 = vector.broadcast %eq3A_301 : i32 to vector<16xi32>
      %eq3A_303 = arith.cmpi eq, %select_n3A_261, %eq3A_302 : vector<16xi32>
      %convert_element_type3A_304 = arith.extui %eq3A_303 : vector<16xi1> to vector<16xi32>
      %convert_element_type3A_305 = arith.sitofp %convert_element_type3A_304 : vector<16xi32> to vector<16xf32>
      %add3A_306 = arith.addf %convert_element_type3A_300, %convert_element_type3A_305 : vector<16xf32>
      %add3A_307 = arith.addf %scan3A_80, %add3A_306 : vector<16xf32>
      %add3A_308 = arith.addf %scan3A_88, %gather3A_111 : vector<16xf32>
      %eq3A_309 = arith.constant 2 : i32
      %eq3A_310 = vector.broadcast %eq3A_309 : i32 to vector<16xi32>
      %eq3A_311 = arith.cmpi eq, %select_n3A_187, %eq3A_310 : vector<16xi32>
      %convert_element_type3A_312 = arith.extui %eq3A_311 : vector<16xi1> to vector<16xi32>
      %convert_element_type3A_313 = arith.sitofp %convert_element_type3A_312 : vector<16xi32> to vector<16xf32>
      %eq3A_314 = arith.constant 2 : i32
      %eq3A_315 = vector.broadcast %eq3A_314 : i32 to vector<16xi32>
      %eq3A_316 = arith.cmpi eq, %select_n3A_261, %eq3A_315 : vector<16xi32>
      %convert_element_type3A_317 = arith.extui %eq3A_316 : vector<16xi1> to vector<16xi32>
      %convert_element_type3A_318 = arith.sitofp %convert_element_type3A_317 : vector<16xi32> to vector<16xf32>
      %add3A_319 = arith.addf %convert_element_type3A_313, %convert_element_type3A_318 : vector<16xf32>
      %add3A_320 = arith.addf %scan3A_81, %add3A_319 : vector<16xf32>
      %add3A_321 = arith.addf %scan3A_89, %gather3A_118 : vector<16xf32>
      %eq3A_322 = arith.constant 3 : i32
      %eq3A_323 = vector.broadcast %eq3A_322 : i32 to vector<16xi32>
      %eq3A_324 = arith.cmpi eq, %select_n3A_187, %eq3A_323 : vector<16xi32>
      %convert_element_type3A_325 = arith.extui %eq3A_324 : vector<16xi1> to vector<16xi32>
      %convert_element_type3A_326 = arith.sitofp %convert_element_type3A_325 : vector<16xi32> to vector<16xf32>
      %eq3A_327 = arith.constant 3 : i32
      %eq3A_328 = vector.broadcast %eq3A_327 : i32 to vector<16xi32>
      %eq3A_329 = arith.cmpi eq, %select_n3A_261, %eq3A_328 : vector<16xi32>
      %convert_element_type3A_330 = arith.extui %eq3A_329 : vector<16xi1> to vector<16xi32>
      %convert_element_type3A_331 = arith.sitofp %convert_element_type3A_330 : vector<16xi32> to vector<16xf32>
      %add3A_332 = arith.addf %convert_element_type3A_326, %convert_element_type3A_331 : vector<16xf32>
      %add3A_333 = arith.addf %scan3A_82, %add3A_332 : vector<16xf32>
      %add3A_334 = arith.addf %scan3A_90, %gather3A_125 : vector<16xf32>
      %eq3A_335 = arith.constant 4 : i32
      %eq3A_336 = vector.broadcast %eq3A_335 : i32 to vector<16xi32>
      %eq3A_337 = arith.cmpi eq, %select_n3A_187, %eq3A_336 : vector<16xi32>
      %convert_element_type3A_338 = arith.extui %eq3A_337 : vector<16xi1> to vector<16xi32>
      %convert_element_type3A_339 = arith.sitofp %convert_element_type3A_338 : vector<16xi32> to vector<16xf32>
      %eq3A_340 = arith.constant 4 : i32
      %eq3A_341 = vector.broadcast %eq3A_340 : i32 to vector<16xi32>
      %eq3A_342 = arith.cmpi eq, %select_n3A_261, %eq3A_341 : vector<16xi32>
      %convert_element_type3A_343 = arith.extui %eq3A_342 : vector<16xi1> to vector<16xi32>
      %convert_element_type3A_344 = arith.sitofp %convert_element_type3A_343 : vector<16xi32> to vector<16xf32>
      %add3A_345 = arith.addf %convert_element_type3A_339, %convert_element_type3A_344 : vector<16xf32>
      %add3A_346 = arith.addf %scan3A_83, %add3A_345 : vector<16xf32>
      %add3A_347 = arith.addf %scan3A_91, %gather3A_132 : vector<16xf32>
      %eq3A_348 = arith.constant 5 : i32
      %eq3A_349 = vector.broadcast %eq3A_348 : i32 to vector<16xi32>
      %eq3A_350 = arith.cmpi eq, %select_n3A_187, %eq3A_349 : vector<16xi32>
      %convert_element_type3A_351 = arith.extui %eq3A_350 : vector<16xi1> to vector<16xi32>
      %convert_element_type3A_352 = arith.sitofp %convert_element_type3A_351 : vector<16xi32> to vector<16xf32>
      %eq3A_353 = arith.constant 5 : i32
      %eq3A_354 = vector.broadcast %eq3A_353 : i32 to vector<16xi32>
      %eq3A_355 = arith.cmpi eq, %select_n3A_261, %eq3A_354 : vector<16xi32>
      %convert_element_type3A_356 = arith.extui %eq3A_355 : vector<16xi1> to vector<16xi32>
      %convert_element_type3A_357 = arith.sitofp %convert_element_type3A_356 : vector<16xi32> to vector<16xf32>
      %add3A_358 = arith.addf %convert_element_type3A_352, %convert_element_type3A_357 : vector<16xf32>
      %add3A_359 = arith.addf %scan3A_84, %add3A_358 : vector<16xf32>
      %add3A_360 = arith.addf %scan3A_92, %gather3A_139 : vector<16xf32>
      %eq3A_361 = arith.constant 6 : i32
      %eq3A_362 = vector.broadcast %eq3A_361 : i32 to vector<16xi32>
      %eq3A_363 = arith.cmpi eq, %select_n3A_187, %eq3A_362 : vector<16xi32>
      %convert_element_type3A_364 = arith.extui %eq3A_363 : vector<16xi1> to vector<16xi32>
      %convert_element_type3A_365 = arith.sitofp %convert_element_type3A_364 : vector<16xi32> to vector<16xf32>
      %eq3A_366 = arith.constant 6 : i32
      %eq3A_367 = vector.broadcast %eq3A_366 : i32 to vector<16xi32>
      %eq3A_368 = arith.cmpi eq, %select_n3A_261, %eq3A_367 : vector<16xi32>
      %convert_element_type3A_369 = arith.extui %eq3A_368 : vector<16xi1> to vector<16xi32>
      %convert_element_type3A_370 = arith.sitofp %convert_element_type3A_369 : vector<16xi32> to vector<16xf32>
      %add3A_371 = arith.addf %convert_element_type3A_365, %convert_element_type3A_370 : vector<16xf32>
      %add3A_372 = arith.addf %scan3A_85, %add3A_371 : vector<16xf32>
      %add3A_373 = arith.addf %scan3A_93, %gather3A_146 : vector<16xf32>
      %eq3A_374 = arith.constant 7 : i32
      %eq3A_375 = vector.broadcast %eq3A_374 : i32 to vector<16xi32>
      %eq3A_376 = arith.cmpi eq, %select_n3A_187, %eq3A_375 : vector<16xi32>
      %convert_element_type3A_377 = arith.extui %eq3A_376 : vector<16xi1> to vector<16xi32>
      %convert_element_type3A_378 = arith.sitofp %convert_element_type3A_377 : vector<16xi32> to vector<16xf32>
      %eq3A_379 = arith.constant 7 : i32
      %eq3A_380 = vector.broadcast %eq3A_379 : i32 to vector<16xi32>
      %eq3A_381 = arith.cmpi eq, %select_n3A_261, %eq3A_380 : vector<16xi32>
      %convert_element_type3A_382 = arith.extui %eq3A_381 : vector<16xi1> to vector<16xi32>
      %convert_element_type3A_383 = arith.sitofp %convert_element_type3A_382 : vector<16xi32> to vector<16xf32>
      %add3A_384 = arith.addf %convert_element_type3A_378, %convert_element_type3A_383 : vector<16xf32>
      %add3A_385 = arith.addf %scan3A_86, %add3A_384 : vector<16xf32>
      %add3A_386 = arith.addf %scan3A_94, %gather3A_153 : vector<16xf32>
      scf.yield %add3A_294, %add3A_307, %add3A_320, %add3A_333, %add3A_346, %add3A_359, %add3A_372, %add3A_385, %add3A_295, %add3A_308, %add3A_321, %add3A_334, %add3A_347, %add3A_360, %add3A_373, %add3A_386 : vector<16xf32>, vector<16xf32>, vector<16xf32>, vector<16xf32>, vector<16xf32>, vector<16xf32>, vector<16xf32>, vector<16xf32>, vector<16xf32>, vector<16xf32>, vector<16xf32>, vector<16xf32>, vector<16xf32>, vector<16xf32>, vector<16xf32>, vector<16xf32>
    }
    %scan3A_10 = arith.constant 64 : i32
    %swap3A = arith.constant 0 : i32
    %swap3A_11 = arith.index_cast %swap3A : i32 to index
    %swap3A_12 = arith.constant 0 : index
    %swap3A_13 = tpu.vector_load %arg10[%swap3A_11, %swap3A_12] {strides = array<i32>} : memref<8x16xf32, #tpu.memory_space<vmem>>, vector<16xf32>,
    tpu.vector_store %arg10[%swap3A_11, %swap3A_12], %scan3A_9#0 {strides = array<i32>} : memref<8x16xf32, #tpu.memory_space<vmem>>, vector<16xf32>,
    %swap3A_14 = arith.constant 0 : i32
    %swap3A_15 = arith.index_cast %swap3A_14 : i32 to index
    %swap3A_16 = arith.constant 0 : index
    %swap3A_17 = tpu.vector_load %arg11[%swap3A_15, %swap3A_16] {strides = array<i32>} : memref<8x16xf32, #tpu.memory_space<vmem>>, vector<16xf32>,
    tpu.vector_store %arg11[%swap3A_15, %swap3A_16], %scan3A_9#8 {strides = array<i32>} : memref<8x16xf32, #tpu.memory_space<vmem>>, vector<16xf32>,
    %swap3A_18 = arith.constant 1 : i32
    %swap3A_19 = arith.index_cast %swap3A_18 : i32 to index
    %swap3A_20 = arith.constant 0 : index
    %swap3A_21 = tpu.vector_load %arg10[%swap3A_19, %swap3A_20] {strides = array<i32>} : memref<8x16xf32, #tpu.memory_space<vmem>>, vector<16xf32>,
    tpu.vector_store %arg10[%swap3A_19, %swap3A_20], %scan3A_9#1 {strides = array<i32>} : memref<8x16xf32, #tpu.memory_space<vmem>>, vector<16xf32>,
    %swap3A_22 = arith.constant 1 : i32
    %swap3A_23 = arith.index_cast %swap3A_22 : i32 to index
    %swap3A_24 = arith.constant 0 : index
    %swap3A_25 = tpu.vector_load %arg11[%swap3A_23, %swap3A_24] {strides = array<i32>} : memref<8x16xf32, #tpu.memory_space<vmem>>, vector<16xf32>,
    tpu.vector_store %arg11[%swap3A_23, %swap3A_24], %scan3A_9#9 {strides = array<i32>} : memref<8x16xf32, #tpu.memory_space<vmem>>, vector<16xf32>,
    %swap3A_26 = arith.constant 2 : i32
    %swap3A_27 = arith.index_cast %swap3A_26 : i32 to index
    %swap3A_28 = arith.constant 0 : index
    %swap3A_29 = tpu.vector_load %arg10[%swap3A_27, %swap3A_28] {strides = array<i32>} : memref<8x16xf32, #tpu.memory_space<vmem>>, vector<16xf32>,
    tpu.vector_store %arg10[%swap3A_27, %swap3A_28], %scan3A_9#2 {strides = array<i32>} : memref<8x16xf32, #tpu.memory_space<vmem>>, vector<16xf32>,
    %swap3A_30 = arith.constant 2 : i32
    %swap3A_31 = arith.index_cast %swap3A_30 : i32 to index
    %swap3A_32 = arith.constant 0 : index
    %swap3A_33 = tpu.vector_load %arg11[%swap3A_31, %swap3A_32] {strides = array<i32>} : memref<8x16xf32, #tpu.memory_space<vmem>>, vector<16xf32>,
    tpu.vector_store %arg11[%swap3A_31, %swap3A_32], %scan3A_9#10 {strides = array<i32>} : memref<8x16xf32, #tpu.memory_space<vmem>>, vector<16xf32>,
    %swap3A_34 = arith.constant 3 : i32
    %swap3A_35 = arith.index_cast %swap3A_34 : i32 to index
    %swap3A_36 = arith.constant 0 : index
    %swap3A_37 = tpu.vector_load %arg10[%swap3A_35, %swap3A_36] {strides = array<i32>} : memref<8x16xf32, #tpu.memory_space<vmem>>, vector<16xf32>,
    tpu.vector_store %arg10[%swap3A_35, %swap3A_36], %scan3A_9#3 {strides = array<i32>} : memref<8x16xf32, #tpu.memory_space<vmem>>, vector<16xf32>,
    %swap3A_38 = arith.constant 3 : i32
    %swap3A_39 = arith.index_cast %swap3A_38 : i32 to index
    %swap3A_40 = arith.constant 0 : index
    %swap3A_41 = tpu.vector_load %arg11[%swap3A_39, %swap3A_40] {strides = array<i32>} : memref<8x16xf32, #tpu.memory_space<vmem>>, vector<16xf32>,
    tpu.vector_store %arg11[%swap3A_39, %swap3A_40], %scan3A_9#11 {strides = array<i32>} : memref<8x16xf32, #tpu.memory_space<vmem>>, vector<16xf32>,
    %swap3A_42 = arith.constant 4 : i32
    %swap3A_43 = arith.index_cast %swap3A_42 : i32 to index
    %swap3A_44 = arith.constant 0 : index
    %swap3A_45 = tpu.vector_load %arg10[%swap3A_43, %swap3A_44] {strides = array<i32>} : memref<8x16xf32, #tpu.memory_space<vmem>>, vector<16xf32>,
    tpu.vector_store %arg10[%swap3A_43, %swap3A_44], %scan3A_9#4 {strides = array<i32>} : memref<8x16xf32, #tpu.memory_space<vmem>>, vector<16xf32>,
    %swap3A_46 = arith.constant 4 : i32
    %swap3A_47 = arith.index_cast %swap3A_46 : i32 to index
    %swap3A_48 = arith.constant 0 : index
    %swap3A_49 = tpu.vector_load %arg11[%swap3A_47, %swap3A_48] {strides = array<i32>} : memref<8x16xf32, #tpu.memory_space<vmem>>, vector<16xf32>,
    tpu.vector_store %arg11[%swap3A_47, %swap3A_48], %scan3A_9#12 {strides = array<i32>} : memref<8x16xf32, #tpu.memory_space<vmem>>, vector<16xf32>,
    %swap3A_50 = arith.constant 5 : i32
    %swap3A_51 = arith.index_cast %swap3A_50 : i32 to index
    %swap3A_52 = arith.constant 0 : index
    %swap3A_53 = tpu.vector_load %arg10[%swap3A_51, %swap3A_52] {strides = array<i32>} : memref<8x16xf32, #tpu.memory_space<vmem>>, vector<16xf32>,
    tpu.vector_store %arg10[%swap3A_51, %swap3A_52], %scan3A_9#5 {strides = array<i32>} : memref<8x16xf32, #tpu.memory_space<vmem>>, vector<16xf32>,
    %swap3A_54 = arith.constant 5 : i32
    %swap3A_55 = arith.index_cast %swap3A_54 : i32 to index
    %swap3A_56 = arith.constant 0 : index
    %swap3A_57 = tpu.vector_load %arg11[%swap3A_55, %swap3A_56] {strides = array<i32>} : memref<8x16xf32, #tpu.memory_space<vmem>>, vector<16xf32>,
    tpu.vector_store %arg11[%swap3A_55, %swap3A_56], %scan3A_9#13 {strides = array<i32>} : memref<8x16xf32, #tpu.memory_space<vmem>>, vector<16xf32>,
    %swap3A_58 = arith.constant 6 : i32
    %swap3A_59 = arith.index_cast %swap3A_58 : i32 to index
    %swap3A_60 = arith.constant 0 : index
    %swap3A_61 = tpu.vector_load %arg10[%swap3A_59, %swap3A_60] {strides = array<i32>} : memref<8x16xf32, #tpu.memory_space<vmem>>, vector<16xf32>,
    tpu.vector_store %arg10[%swap3A_59, %swap3A_60], %scan3A_9#6 {strides = array<i32>} : memref<8x16xf32, #tpu.memory_space<vmem>>, vector<16xf32>,
    %swap3A_62 = arith.constant 6 : i32
    %swap3A_63 = arith.index_cast %swap3A_62 : i32 to index
    %swap3A_64 = arith.constant 0 : index
    %swap3A_65 = tpu.vector_load %arg11[%swap3A_63, %swap3A_64] {strides = array<i32>} : memref<8x16xf32, #tpu.memory_space<vmem>>, vector<16xf32>,
    tpu.vector_store %arg11[%swap3A_63, %swap3A_64], %scan3A_9#14 {strides = array<i32>} : memref<8x16xf32, #tpu.memory_space<vmem>>, vector<16xf32>,
    %swap3A_66 = arith.constant 7 : i32
    %swap3A_67 = arith.index_cast %swap3A_66 : i32 to index
    %swap3A_68 = arith.constant 0 : index
    %swap3A_69 = tpu.vector_load %arg10[%swap3A_67, %swap3A_68] {strides = array<i32>} : memref<8x16xf32, #tpu.memory_space<vmem>>, vector<16xf32>,
    tpu.vector_store %arg10[%swap3A_67, %swap3A_68], %scan3A_9#7 {strides = array<i32>} : memref<8x16xf32, #tpu.memory_space<vmem>>, vector<16xf32>,
    %swap3A_70 = arith.constant 7 : i32
    %swap3A_71 = arith.index_cast %swap3A_70 : i32 to index
    %swap3A_72 = arith.constant 0 : index
    %swap3A_73 = tpu.vector_load %arg11[%swap3A_71, %swap3A_72] {strides = array<i32>} : memref<8x16xf32, #tpu.memory_space<vmem>>, vector<16xf32>,
    tpu.vector_store %arg11[%swap3A_71, %swap3A_72], %scan3A_9#15 {strides = array<i32>} : memref<8x16xf32, #tpu.memory_space<vmem>>, vector<16xf32>,
    %mul3A_74 = arith.constant 2 : i32
    %mul3A_75 = arith.muli %mul3A_2, %mul3A_74 : i32
    "tpu.region"() ({
      %run_scoped3A = tpu.sem_alloc : memref<!tpu.dma_semaphore, #tpu.memory_space<semaphore_mem>>
      %dma_start3A = tpu.memref_slice %arg3[%mul3A_75] : memref<65536xi32, #tpu.memory_space<hbm>> -> memref<2048xi32, #tpu.memory_space<hbm>>
      %dma_start3A_78 = tpu.memref_slice %arg3[%mul3A_75] : memref<65536xi32, #tpu.memory_space<hbm>> -> memref<2048xi32, #tpu.memory_space<hbm>>
      tpu.enqueue_dma source(%arg8 : memref<2048xi32, #tpu.memory_space<vmem>>) target(%dma_start3A_78 : memref<2048xi32, #tpu.memory_space<hbm>>) target_semaphore(%run_scoped3A : memref<!tpu.dma_semaphore, #tpu.memory_space<semaphore_mem>>)
      %dma_wait3A = tpu.memref_slice %arg3[%mul3A_75] : memref<65536xi32, #tpu.memory_space<hbm>> -> memref<2048xi32, #tpu.memory_space<hbm>>
      %dma_wait3A_79 = tpu.memref_slice %arg3[%mul3A_75] : memref<65536xi32, #tpu.memory_space<hbm>> -> memref<2048xi32, #tpu.memory_space<hbm>>
      tpu.wait_dma2 semaphore(%run_scoped3A : memref<!tpu.dma_semaphore, #tpu.memory_space<semaphore_mem>>) src(%arg8 : memref<2048xi32, #tpu.memory_space<vmem>>) dst(%dma_wait3A_79 : memref<2048xi32, #tpu.memory_space<hbm>>)
      tpu.yield
    }) : () -> ()
    %mul3A_76 = arith.constant 2 : i32
    %mul3A_77 = arith.muli %mul3A_2, %mul3A_76 : i32
    "tpu.region"() ({
      %run_scoped3A = tpu.sem_alloc : memref<!tpu.dma_semaphore, #tpu.memory_space<semaphore_mem>>
      %dma_start3A = tpu.memref_slice %arg4[%mul3A_77] : memref<65536xf32, #tpu.memory_space<hbm>> -> memref<2048xf32, #tpu.memory_space<hbm>>
      %dma_start3A_78 = tpu.memref_slice %arg4[%mul3A_77] : memref<65536xf32, #tpu.memory_space<hbm>> -> memref<2048xf32, #tpu.memory_space<hbm>>
      tpu.enqueue_dma source(%arg9 : memref<2048xf32, #tpu.memory_space<vmem>>) target(%dma_start3A_78 : memref<2048xf32, #tpu.memory_space<hbm>>) target_semaphore(%run_scoped3A : memref<!tpu.dma_semaphore, #tpu.memory_space<semaphore_mem>>)
      %dma_wait3A = tpu.memref_slice %arg4[%mul3A_77] : memref<65536xf32, #tpu.memory_space<hbm>> -> memref<2048xf32, #tpu.memory_space<hbm>>
      %dma_wait3A_79 = tpu.memref_slice %arg4[%mul3A_77] : memref<65536xf32, #tpu.memory_space<hbm>> -> memref<2048xf32, #tpu.memory_space<hbm>>
      tpu.wait_dma2 semaphore(%run_scoped3A : memref<!tpu.dma_semaphore, #tpu.memory_space<semaphore_mem>>) src(%arg9 : memref<2048xf32, #tpu.memory_space<vmem>>) dst(%dma_wait3A_79 : memref<2048xf32, #tpu.memory_space<hbm>>)
      tpu.yield
    }) : () -> ()
    "tpu.region"() ({
      %run_scoped3A = tpu.sem_alloc : memref<!tpu.dma_semaphore, #tpu.memory_space<semaphore_mem>>
      %dma_start3A = arith.constant 0 : i32
      %dma_start3A_78 = arith.constant 0 : i32
      %dma_start3A_79 = tpu.memref_slice %arg5[%add3A, %dma_start3A, %dma_start3A_78] : memref<32x8x16xf32, #tpu.memory_space<hbm>> -> memref<1x8x16xf32, #tpu.memory_space<hbm>>
      %dma_start3A_80 = tpu.memref_squeeze %dma_start3A_79 : memref<1x8x16xf32, #tpu.memory_space<hbm>> -> memref<8x16xf32, #tpu.memory_space<hbm>>
      %dma_start3A_81 = arith.constant 0 : i32
      %dma_start3A_82 = arith.constant 0 : i32
      %dma_start3A_83 = tpu.memref_slice %arg5[%add3A, %dma_start3A_81, %dma_start3A_82] : memref<32x8x16xf32, #tpu.memory_space<hbm>> -> memref<1x8x16xf32, #tpu.memory_space<hbm>>
      %dma_start3A_84 = tpu.memref_squeeze %dma_start3A_83 : memref<1x8x16xf32, #tpu.memory_space<hbm>> -> memref<8x16xf32, #tpu.memory_space<hbm>>
      tpu.enqueue_dma source(%arg10 : memref<8x16xf32, #tpu.memory_space<vmem>>) target(%dma_start3A_84 : memref<8x16xf32, #tpu.memory_space<hbm>>) target_semaphore(%run_scoped3A : memref<!tpu.dma_semaphore, #tpu.memory_space<semaphore_mem>>)
      %dma_wait3A = arith.constant 0 : i32
      %dma_wait3A_85 = arith.constant 0 : i32
      %dma_wait3A_86 = tpu.memref_slice %arg5[%add3A, %dma_wait3A, %dma_wait3A_85] : memref<32x8x16xf32, #tpu.memory_space<hbm>> -> memref<1x8x16xf32, #tpu.memory_space<hbm>>
      %dma_wait3A_87 = tpu.memref_squeeze %dma_wait3A_86 : memref<1x8x16xf32, #tpu.memory_space<hbm>> -> memref<8x16xf32, #tpu.memory_space<hbm>>
      %dma_wait3A_88 = arith.constant 0 : i32
      %dma_wait3A_89 = arith.constant 0 : i32
      %dma_wait3A_90 = tpu.memref_slice %arg5[%add3A, %dma_wait3A_88, %dma_wait3A_89] : memref<32x8x16xf32, #tpu.memory_space<hbm>> -> memref<1x8x16xf32, #tpu.memory_space<hbm>>
      %dma_wait3A_91 = tpu.memref_squeeze %dma_wait3A_90 : memref<1x8x16xf32, #tpu.memory_space<hbm>> -> memref<8x16xf32, #tpu.memory_space<hbm>>
      tpu.wait_dma2 semaphore(%run_scoped3A : memref<!tpu.dma_semaphore, #tpu.memory_space<semaphore_mem>>) src(%arg10 : memref<8x16xf32, #tpu.memory_space<vmem>>) dst(%dma_wait3A_91 : memref<8x16xf32, #tpu.memory_space<hbm>>)
      tpu.yield
    }) : () -> ()
    "tpu.region"() ({
      %run_scoped3A = tpu.sem_alloc : memref<!tpu.dma_semaphore, #tpu.memory_space<semaphore_mem>>
      %dma_start3A = arith.constant 0 : i32
      %dma_start3A_78 = arith.constant 0 : i32
      %dma_start3A_79 = tpu.memref_slice %arg6[%add3A, %dma_start3A, %dma_start3A_78] : memref<32x8x16xf32, #tpu.memory_space<hbm>> -> memref<1x8x16xf32, #tpu.memory_space<hbm>>
      %dma_start3A_80 = tpu.memref_squeeze %dma_start3A_79 : memref<1x8x16xf32, #tpu.memory_space<hbm>> -> memref<8x16xf32, #tpu.memory_space<hbm>>
      %dma_start3A_81 = arith.constant 0 : i32
      %dma_start3A_82 = arith.constant 0 : i32
      %dma_start3A_83 = tpu.memref_slice %arg6[%add3A, %dma_start3A_81, %dma_start3A_82] : memref<32x8x16xf32, #tpu.memory_space<hbm>> -> memref<1x8x16xf32, #tpu.memory_space<hbm>>
      %dma_start3A_84 = tpu.memref_squeeze %dma_start3A_83 : memref<1x8x16xf32, #tpu.memory_space<hbm>> -> memref<8x16xf32, #tpu.memory_space<hbm>>
      tpu.enqueue_dma source(%arg11 : memref<8x16xf32, #tpu.memory_space<vmem>>) target(%dma_start3A_84 : memref<8x16xf32, #tpu.memory_space<hbm>>) target_semaphore(%run_scoped3A : memref<!tpu.dma_semaphore, #tpu.memory_space<semaphore_mem>>)
      %dma_wait3A = arith.constant 0 : i32
      %dma_wait3A_85 = arith.constant 0 : i32
      %dma_wait3A_86 = tpu.memref_slice %arg6[%add3A, %dma_wait3A, %dma_wait3A_85] : memref<32x8x16xf32, #tpu.memory_space<hbm>> -> memref<1x8x16xf32, #tpu.memory_space<hbm>>
      %dma_wait3A_87 = tpu.memref_squeeze %dma_wait3A_86 : memref<1x8x16xf32, #tpu.memory_space<hbm>> -> memref<8x16xf32, #tpu.memory_space<hbm>>
      %dma_wait3A_88 = arith.constant 0 : i32
      %dma_wait3A_89 = arith.constant 0 : i32
      %dma_wait3A_90 = tpu.memref_slice %arg6[%add3A, %dma_wait3A_88, %dma_wait3A_89] : memref<32x8x16xf32, #tpu.memory_space<hbm>> -> memref<1x8x16xf32, #tpu.memory_space<hbm>>
      %dma_wait3A_91 = tpu.memref_squeeze %dma_wait3A_90 : memref<1x8x16xf32, #tpu.memory_space<hbm>> -> memref<8x16xf32, #tpu.memory_space<hbm>>
      tpu.wait_dma2 semaphore(%run_scoped3A : memref<!tpu.dma_semaphore, #tpu.memory_space<semaphore_mem>>) src(%arg11 : memref<8x16xf32, #tpu.memory_space<vmem>>) dst(%dma_wait3A_91 : memref<8x16xf32, #tpu.memory_space<hbm>>)
      tpu.yield
    }) : () -> ()
    return
  }
}

module attributes {stable_mosaic.version = 14 : i64} {
  func.func @_proj_softmax_kernel(%arg0: i32, %arg1: memref<4096x768xf32, #tpu.memory_space<vmem>>, %arg2: memref<8x768xf32, #tpu.memory_space<vmem>>, %arg3: memref<4096x8xf32, #tpu.memory_space<vmem>>) attributes {dimension_semantics = [#tpu.dimension_semantics<arbitrary>], iteration_bounds = array<i64: 8>, scalar_prefetch = 0 : i64, scratch_operands = 0 : i64, tpu.core_type = #tpu.core_type<tc>, window_params = [{transform_indices = @transform_0, window_bounds = array<i64: 4096, 768>}, {pipeline_mode = #tpu.pipeline_mode<synchronous>, transform_indices = @transform_1, window_bounds = array<i64: 8, 768>}, {transform_indices = @transform_2, window_bounds = array<i64: 4096, 8>}]} {
    %get3A = arith.constant 0 : index
    %get3A_0 = arith.constant 0 : index
    %get3A_1 = vector.load %arg1[%get3A, %get3A_0] : memref<4096x768xf32, #tpu.memory_space<vmem>>, vector<4096x768xf32>
    %get3A_2 = arith.constant 0 : index
    %get3A_3 = arith.constant 0 : index
    %get3A_4 = vector.load %arg2[%get3A_2, %get3A_3] : memref<8x768xf32, #tpu.memory_space<vmem>>, vector<8x768xf32>
    %dot_general3A = arith.constant dense<0.000000e+00> : vector<4096x8xf32>
    %dot_general3A_5 = tpu.matmul %get3A_1, %get3A_4, %dot_general3A {dimension_numbers = #tpu.dot_dimension_numbers<[1], [1], [0], [0], [0, 0, 1, 0], [], []>, transpose_lhs_hint = false} : vector<4096x768xf32>, vector<8x768xf32>, vector<4096x8xf32> -> vector<4096x8xf32>
    %reduce_max3A = arith.constant dense<0xFF800000> : vector<4096xf32>
    %reduce_max3A_6 = vector.multi_reduction <maximumf>, %dot_general3A_5, %reduce_max3A [1] : vector<4096x8xf32> to vector<4096xf32>
    %broadcast_in_dim3A = vector.shape_cast %reduce_max3A_6 : vector<4096xf32> to vector<4096x1xf32>
    %sub3A = vector.broadcast %broadcast_in_dim3A : vector<4096x1xf32> to vector<4096x8xf32>
    %sub3A_7 = arith.subf %dot_general3A_5, %sub3A : vector<4096x8xf32>
    %exp3A = math.exp %sub3A_7 : vector<4096x8xf32>
    %reduce_sum3A = arith.constant dense<0.000000e+00> : vector<4096xf32>
    %reduce_sum3A_8 = vector.multi_reduction <add>, %exp3A, %reduce_sum3A [1] : vector<4096x8xf32> to vector<4096xf32>
    %broadcast_in_dim3A_9 = vector.shape_cast %reduce_sum3A_8 : vector<4096xf32> to vector<4096x1xf32>
    %div3A = vector.broadcast %broadcast_in_dim3A_9 : vector<4096x1xf32> to vector<4096x8xf32>
    %div3A_10 = arith.divf %exp3A, %div3A : vector<4096x8xf32>
    %swap3A = arith.constant 0 : index
    %swap3A_11 = arith.constant 0 : index
    %swap3A_12 = vector.load %arg3[%swap3A, %swap3A_11] : memref<4096x8xf32, #tpu.memory_space<vmem>>, vector<4096x8xf32>
    tpu.vector_store %arg3[%swap3A, %swap3A_11], %div3A_10 {strides = array<i32>} : memref<4096x8xf32, #tpu.memory_space<vmem>>, vector<4096x8xf32>,
    return
  }
  func.func @transform_0(%arg0: i32) -> (i32, i32) {
    %c0_i32 = arith.constant 0 : i32
    %c0_i32_0 = arith.constant 0 : i32
    return %arg0, %c0_i32 : i32, i32
  }
  func.func @transform_1(%arg0: i32) -> (i32, i32) {
    %c0_i32 = arith.constant 0 : i32
    %c0_i32_0 = arith.constant 0 : i32
    %c0_i32_1 = arith.constant 0 : i32
    return %c0_i32, %c0_i32_0 : i32, i32
  }
  func.func @transform_2(%arg0: i32) -> (i32, i32) {
    %c0_i32 = arith.constant 0 : i32
    %c0_i32_0 = arith.constant 0 : i32
    return %arg0, %c0_i32 : i32, i32
  }
}

module attributes {stable_mosaic.version = 14 : i64} {
  func.func @_aux_kernel(%arg0: memref<32x8x16xf32, #tpu.memory_space<vmem>>, %arg1: memref<32x8x16xf32, #tpu.memory_space<vmem>>, %arg2: memref<1x1xf32, #tpu.memory_space<vmem>>) attributes {dimension_semantics = [], scalar_prefetch = 0 : i64, scratch_operands = 0 : i64, tpu.core_type = #tpu.core_type<tc>} {
    %get3A = arith.constant 0 : index
    %get3A_0 = arith.constant 0 : index
    %get3A_1 = arith.constant 0 : index
    %get3A_2 = vector.load %arg0[%get3A, %get3A_0, %get3A_1] : memref<32x8x16xf32, #tpu.memory_space<vmem>>, vector<32x8x16xf32>
    %get3A_3 = arith.constant 0 : index
    %get3A_4 = arith.constant 0 : index
    %get3A_5 = arith.constant 0 : index
    %get3A_6 = vector.load %arg1[%get3A_3, %get3A_4, %get3A_5] : memref<32x8x16xf32, #tpu.memory_space<vmem>>, vector<32x8x16xf32>
    %reshape3A = vector.shape_cast %get3A_2 : vector<32x8x16xf32> to vector<4x8x8x16xf32>
    %reduce_sum3A = arith.constant dense<0.000000e+00> : vector<4x8xf32>
    %reduce_sum3A_7 = vector.multi_reduction <add>, %reshape3A, %reduce_sum3A [1, 3] : vector<4x8x8x16xf32> to vector<4x8xf32>
    %reshape3A_8 = vector.shape_cast %get3A_6 : vector<32x8x16xf32> to vector<4x8x8x16xf32>
    %reduce_sum3A_9 = arith.constant dense<0.000000e+00> : vector<4x8xf32>
    %reduce_sum3A_10 = vector.multi_reduction <add>, %reshape3A_8, %reduce_sum3A_9 [1, 3] : vector<4x8x8x16xf32> to vector<4x8xf32>
    %mul3A = arith.constant 4.8828125E-4 : f32
    %mul3A_11 = vector.broadcast %mul3A : f32 to vector<4x8xf32>
    %mul3A_12 = arith.mulf %reduce_sum3A_7, %mul3A_11 : vector<4x8xf32>
    %div3A = arith.constant 8.192000e+03 : f32
    %div3A_13 = vector.broadcast %div3A : f32 to vector<4x8xf32>
    %div3A_14 = arith.divf %reduce_sum3A_10, %div3A_13 : vector<4x8xf32>
    %mul3A_15 = arith.mulf %mul3A_12, %div3A_14 : vector<4x8xf32>
    %reduce_sum3A_16 = vector.shape_cast %mul3A_15 : vector<4x8xf32> to vector<1x4x8xf32>
    %reduce_sum3A_17 = arith.constant dense<0.000000e+00> : vector<1xf32>
    %reduce_sum3A_18 = vector.multi_reduction <add>, %reduce_sum3A_16, %reduce_sum3A_17 [1, 2] : vector<1x4x8xf32> to vector<1xf32>
    %reduce_sum3A_19 = vector.shape_cast %reduce_sum3A_18 : vector<1xf32> to vector<1x1x1xf32>
    %reduce_sum3A_20 = vector.extract %reduce_sum3A_19[0, 0, 0] : f32 from vector<1x1x1xf32>
    %div3A_21 = arith.constant 4.000000e+00 : f32
    %div3A_22 = arith.divf %reduce_sum3A_20, %div3A_21 : f32
    %mul3A_23 = arith.constant 1.000000e-03 : f32
    %mul3A_24 = arith.mulf %div3A_22, %mul3A_23 : f32
    %broadcast_in_dim3A = vector.broadcast %mul3A_24 : f32 to vector<1x1xf32>
    %swap3A = arith.constant 0 : index
    %swap3A_25 = arith.constant 0 : index
    %swap3A_26 = vector.load %arg2[%swap3A, %swap3A_25] : memref<1x1xf32, #tpu.memory_space<vmem>>, vector<1x1xf32>
    tpu.vector_store %arg2[%swap3A, %swap3A_25], %broadcast_in_dim3A {strides = array<i32>} : memref<1x1xf32, #tpu.memory_space<vmem>>, vector<1x1xf32>,
    return
  }
}

</mosaic_0001>

<sc_bundles>
// kernel: kernel.5.cloned.1.call-start
scs
__scs_entry_jumppad:
0x0: {  	(pc) =	sbr.rel $0x88, $3  }
0x1: {  	(tag) =	ssettag $0x0;
	lr =	simm.s32 $0x1  }
0x2: {  	[smem:$0x3F9F] =	sst lr;
	_ =	strace $0xD0000000  }
0x3: {  	_ = 	snop  }
0x4: {  	_ = 	snop  }
0x5: {  	_ = 	snop  }
0x6: {  	_ = 	snop  }
0x7: {  	_ = 	snop  }
__scs_overlays_trampoline_lowered:
0x8: {  	[smem:$0x3FAE] =	sst s0  }
0x9: {  	[smem:$0x3FAF] =	sst s1  }
0xa: {  	[smem:$0x3FB0] =	sst s2  }
0xb: {  	[smem:$0x3FB1] =	sst s3  }
0xc: {  	[smem:$0x3FB2] =	sst s4  }
0xd: {  	[smem:$0x3FB3] =	sst s5  }
0xe: {  	[smem:$0x3FB4] =	sst s6  }
0xf: {  	[smem:$0x3FB5] =	sst s7  }
0x10: {  	[smem:$0x3FB6] =	sst s8  }
0x11: {  	[smem:$0x3FB7] =	sst s9;
	s0 =	simm.s32 @!p0 $0x0  }
0x12: {  	s1 =	sld [smem:$0x3F9D];
	s0 =	simm.s32 @p0 $0x1  }
0x13: {  	[smem:$0x3FB8] =	sst s0;
	s0 =	simm.s32 @!p1 $0x0  }
0x14: {  	s2 =	sld [smem:$0x3F9C];
	s0 =	simm.s32 @p1 $0x1  }
0x15: {  	[smem:$0x3FB9] =	sst s0;
	s0 =	simm.s32 @!p2 $0x0  }
0x16: {  	s3 =	sld [smem:$0x3FDB];
	s0 =	simm.s32 @p2 $0x1  }
0x17: {  	s4 =	simm.s32 $0x1BF5;
	[smem:$0x3FBB] =	sst s0  }
0x18: {  	s0 =	sld [smem:$0x3F9E];
	_ =	swait.ge [sflag:s4], $0x0  }
0x19: {  	s7 =	sld [smem:$0x3F9F]  }
0x1a: {  	s8 =	sadd.s32 $0xFFFFE003, lr  }
0x1b: {  	s9 =	sadd.s32 $0xFFFFFEF7, lr;
	s5 =	simm.s32 $0xFFFFFFFF;
	p2 =	slt.u32 s8, $0xFFFFF086  }
0x1c: {  	p1 =	slt.u32 s9, $0xF7A;
	s5 =	simm.s32 @!p2 $0x0  }
0x1d: {  	s5 =	simm.s32 @p1 $0x1;
	p0 =	seq.s32 s7, s2  }
0x1e: {  	s7 =	smul.u32 @!p0 $0xF7A, s2;
	p2 =	seq.s32 @!p0 s5, $0x0  }
0x1f: {  	s9 =	smul.u32 $0xF7A, s1;
	s8 =	simm.s32 @!p0 $0x1BF5;
	p2 =	por !p2, p0  }
0x20: {  	[sflag:s8] =	ssyncset.s32 @!p0 $0xFFFFF086;
	s6 =	sadd.s32 @!p0 s3, s7;
	s7 =	simm.s32 @!p0 $0x108  }
0x21: {  	s3 =	sadd.s32 s3, s9;
	s6 =	sadd.s32 @!p0 $0x88, s6;
	s7 =	simm.s32 @p2 $0x1082  }
0x22: {  	[simem:s7], [sflag:s8] =	dma.local @!p0 [hbm:s6], $0xF7A  }
0x23: {  	s9 =	sor.u32 $0xD0000000, s2;
	s6 =	simm.s32 $0x108;
	_ =	swait.ge @!p0 [sflag:s8], $0x0  }
0x24: {  	s3 =	sadd.s32 $0x88, s3;
	s6 =	simm.s32 @!p1 $0x1082;
	[sflag:s4] =	ssyncset.s32 $0xFFFFF086  }
0x25: {  	[simem:s6], [sflag:s4] =	dma.local [hbm:s3], $0xF7A  }
0x26: {  	[smem:$0x3F9F] =	sst s1;
	(tag) =	ssettag s2;
	_ =	strace s9  }
0x27: {  	s1 =	sld [smem:$0x3FAF]  }
0x28: {  	s2 =	sld [smem:$0x3FB0]  }
0x29: {  	s4 =	sld [smem:$0x3FB2]  }
0x2a: {  	p0 =	seq.s32 s5, $0x0;
	s5 =	sld [smem:$0x3FB3]  }
0x2b: {  	s6 =	sld [smem:$0x3FB4]  }
0x2c: {  	s7 =	sld [smem:$0x3FB5]  }
0x2d: {  	s3 =	simm.s32 $0x108;
	s8 =	sld [smem:$0x3FB6]  }
0x2e: {  	s3 =	simm.s32 @!p0 $0x1082;
	s9 =	sld [smem:$0x3FB7]  }
0x2f: {  	lr =	sadd.s32 s0, s3;
	s0 =	sld [smem:$0x3FAE]  }
0x30: {  	s3 =	sld [smem:$0x3FB1]  }
0x31: {  	[smem:$0x3FBA] =	sst s10  }
0x32: {  	s10 =	sld [smem:$0x3FB8];
	_ =	sdelay $0x3  }
0x33: {  	p0 =	seq.s32 s10, $0x1;
	s10 =	sld [smem:$0x3FBA];
	_ =	sdelay $0x3  }
0x34: {  	[smem:$0x3FBA] =	sst s10  }
0x35: {  	s10 =	sld [smem:$0x3FB9];
	_ =	sdelay $0x3  }
0x36: {  	p1 =	seq.s32 s10, $0x1;
	s10 =	sld [smem:$0x3FBA];
	_ =	sdelay $0x3  }
0x37: {  	[smem:$0x3FBA] =	sst s10  }
0x38: {  	s10 =	sld [smem:$0x3FBB]  }
0x39: {  	_ = 	snop;
	(pc) =	sbr.ind lr, $3  }
0x3a: {  	_ = 	snop  }
0x3b: {  	_ = 	snop  }
0x3c: {  	p2 =	seq.s32 s10, $0x1;
	s10 =	sld [smem:$0x3FBA]  }
0x3d: {  	_ =	shalt  }
0x3e: {  	_ =	shalt  }
0x3f: {  	_ =	shalt  }
0x40: {  	_ =	shalt  }
0x41: {  	_ =	shalt  }
0x42: {  	_ =	shalt  }
0x43: {  	_ =	shalt  }
0x44: {  	_ =	shalt  }
0x45: {  	_ =	shalt  }
0x46: {  	_ =	shalt  }
0x47: {  	_ =	shalt  }
0x48: {  	_ =	shalt  }
0x49: {  	_ =	shalt  }
0x4a: {  	_ =	shalt  }
0x4b: {  	_ =	shalt  }
0x4c: {  	_ =	shalt  }
0x4d: {  	_ =	shalt  }
0x4e: {  	_ =	shalt  }
0x4f: {  	_ =	shalt  }
0x50: {  	_ =	shalt  }
0x51: {  	_ =	shalt  }
0x52: {  	_ =	shalt  }
0x53: {  	_ =	shalt  }
0x54: {  	_ =	shalt  }
0x55: {  	_ =	shalt  }
0x56: {  	_ =	shalt  }
0x57: {  	_ =	shalt  }
0x58: {  	_ =	shalt  }
0x59: {  	_ =	shalt  }
0x5a: {  	_ =	shalt  }
0x5b: {  	_ =	shalt  }
0x5c: {  	_ =	shalt  }
0x5d: {  	_ =	shalt  }
0x5e: {  	_ =	shalt  }
0x5f: {  	_ =	shalt  }
0x60: {  	_ =	shalt  }
0x61: {  	_ =	shalt  }
0x62: {  	_ =	shalt  }
0x63: {  	_ =	shalt  }
0x64: {  	_ =	shalt  }
0x65: {  	_ =	shalt  }
0x66: {  	_ =	shalt  }
0x67: {  	_ =	shalt  }
0x68: {  	_ =	shalt  }
0x69: {  	_ =	shalt  }
0x6a: {  	_ =	shalt  }
0x6b: {  	_ =	shalt  }
0x6c: {  	_ =	shalt  }
0x6d: {  	_ =	shalt  }
0x6e: {  	_ =	shalt  }
0x6f: {  	_ =	shalt  }
0x70: {  	_ =	shalt  }
0x71: {  	_ =	shalt  }
0x72: {  	_ =	shalt  }
0x73: {  	_ =	shalt  }
0x74: {  	_ =	shalt  }
0x75: {  	_ =	shalt  }
0x76: {  	_ =	shalt  }
0x77: {  	_ =	shalt  }
0x78: {  	_ =	shalt  }
0x79: {  	_ =	shalt  }
0x7a: {  	_ =	shalt  }
0x7b: {  	_ =	shalt  }
0x7c: {  	_ =	shalt  }
0x7d: {  	_ =	shalt  }
0x7e: {  	_ =	shalt  }
0x7f: {  	_ =	shalt  }
0x80: {  	_ =	shalt  }
0x81: {  	_ =	shalt  }
0x82: {  	_ =	shalt  }
0x83: {  	_ =	shalt  }
0x84: {  	_ =	shalt  }
0x85: {  	_ =	shalt  }
0x86: {  	_ =	shalt  }
0x87: {  	_ =	shalt  }
.Lfunc_end0:
.L_simem_size_0:
called_computation_lowered:
.L_overlay_start_0:
0x88: {  	s2 =	sld [smem:$0x3FD9]  }
0x89: {  	s3 =	sld [smem:$0x3FFE];
	_ =	sdelay $0x1  }
0x8a: {  	s1 =	srdreg.scid  }
0x8b: {  	s0 =	sand.u32 $0x1, s1  }
0x8c: {  	s14 =	sshll.u32 s0, $0xA;
	s2 =	sadd.s32 s3, s2  }
0x8d: {  	s2 =	sadd.s32 s2, s14  }
0x8e: {  	[smem:$0x3FC6] =	sst s2  }
0x8f: {  	_ = 	snop  }
0x90: {  	s2 =	sld [smem:$0x3FD0];
	_ =	sdelay $0x2  }
0x91: {  	s15 =	simm.s32 $0xA;
	s4 =	simm.s32 $0x10  }
0x92: {  	[smem:s4], [sflag:s15] =	dma.local [hbm:s2], $0x1  }
0x93: {  	_ =	swait.eq [sflag:s15], $0x1  }
0x94: {  	[sflag:s15] =	ssyncset.done $0x0  }
0x95: {  	[sflag:s15] =	ssyncadd.s32 $0xFFFFFFFF  }
0x96: {  	s16 =	sld [smem:$0x11];
	(tm) =	ssettm $0x1  }
0x97: {  	s17 =	sld [smem:$0x3FFB];
	_ =	sdelay $0x3  }
0x98: {  	_ =	strace s17  }
0x99: {  	s3 =	sld [smem:$0x3FFC];
	_ =	sdelay $0x3  }
0x9a: {  	_ =	strace s3  }
0x9b: {  	s3 =	sld [smem:$0x3FFD];
	_ =	sdelay $0x3  }
0x9c: {  	_ =	strace s3  }
0x9d: {  	_ =	strace $0x8FFFFFFF  }
0x9e: {  	s18 =	sld [smem:$0x3FDB];
	_ =	sdelay $0x1  }
0x9f: {  	s19 =	simm.s32 $_scs_section_size  }
0xa0: {  	s5 =	simm.s32 $_size__tile_overlayer_lowered;
	s6 =	simm.s32 $_tile_overlayer_lowered  }
0xa1: {  	s22 =	simm.s32 $0x1BFF;
	s21 =	sshll.u32 s6, $0x1;
	s3 =	sadd.s32 s19, s18  }
0xa2: {  	s7 =	simm.s32 $0x0;
	s20 =	sshll.u32 s5, $0x1;
	s5 =	sadd.s32 s21, s3  }
0xa3: {  	[timem:s7], [sflag:s22] =	dma.local [hbm:s5], s20  }
0xa4: {  	_ =	swait.ge [sflag:s22], s20  }
0xa5: {  	s4 =	ssub.s32 $0x0, s20;
	[sflag:s22] =	ssyncset.done $0x0  }
0xa6: {  	[sflag:s22] =	ssyncadd.s32 s4;
	_ =	sdelay $0x1  }
0xa7: {  	s23 =	simm.s32 $0x1B8B  }
0xa8: {  	_ =	swait.ge [sflag:s23], $0x1  }
0xa9: {  	[sflag:s23] =	ssyncset.done $0x0  }
0xaa: {  	s25 =	simm.s32 $0x1B8E;
	s24 =	sld [smem:$0x3FFE];
	[sflag:s23] =	ssyncadd.s32 $0xFFFFFFFF  }
0xab: {  	s26 =	simm.s32 $execute0_lowered;
	[smem:$0x3FD2] =	sst s25  }
0xac: {  	s5 =	sshll.u32 s26, $0x1;
	_ =	strace $0x80000046;
	[dreg:$0x1] =	wrdreg $0xFFFFFFFF  }
0xad: {  	s28 =	simm.s32 $_size_execute0_lowered;
	s3 =	sadd.s32 s3, s5;
	[dreg:$0x0] =	wrdreg $0x0  }
0xae: {  	s5 =	sshll.u32 s28, $0x1;
	[dreg:$0x2] =	wrdreg s3  }
0xaf: {  	[dreg:$0x3] =	wrdreg s5  }
0xb0: {  	[dreg:$0x4] =	wrdreg $0xC0  }
0xb1: {  	_ =	task [dreg:s7], $0x5FFFF  }
0xb2: {  	[dreg:$0x1] =	wrdreg $0xFFFFFFFF  }
0xb3: {  	[dreg:$0x0] =	wrdreg $0x60  }
0xb4: {  	[dreg:$0x2] =	wrdreg s24  }
0xb5: {  	[dreg:$0x3] =	wrdreg s16  }
0xb6: {  	[dreg:$0x4] =	wrdreg $0x9  }
0xb7: {  	_ =	task.clear_ibuf [dreg:s7], $0x5FFFF;
	_ =	strace $0x90000046  }
0xb8: {  	s29 =	simm.s32 $0x9;
	_ =	strace $0x80000048  }
0xb9: {  	_ =	swait.ge [sflag:s29], $0x1  }
0xba: {  	[sflag:s29] =	ssyncadd.s32 $0xFFFFFFFF  }
0xbb: {  	_ =	strace $0x90000048  }
0xbc: {  	_ =	sfence  }
0xbd: {  	s30 =	sld [smem:$0x0];
	_ =	sdelay $0x2  }
0xbe: {  	s31 =	sshll.u32 s1, $0xD;
	s1 =	sshrl.u32 s1, $0x2  }
0xbf: {  	s3 =	sand.u32 $0x4000, s31;
	s1 =	sadd.s32 s1, s30  }
0xc0: {  	s0 =	sor.u32 s3, s0;
	s1 =	sshll.u32 s1, $0x11  }
0xc1: {  	s0 =	sor.u32 s1, s0  }
0xc2: {  	s0 =	sadd.s32 $0x8F2B, s0  }
0xc3: {  	[sflag:s0] =	ssyncadd.remote.s32 $0x1  }
0xc4: {  	_ =	sfence.sel $0xFFFF  }
0xc5: {  	[dreg:$0x0] =	wrdreg $0xFFFFFFFF;
	(pc) =	sbr.abs _section_cstart, $3  }
0xc6: {  	[dreg:$0x1] =	wrdreg $0xFFFFFFFF  }
0xc7: {  	_ =	task.clear_ibuf [dreg:s7], $0x2FFFF;
	_ =	strace $0x9FFFFFFF  }
0xc8: {  	(tm) =	ssettm $0x7FFFFFFF  }
0xc9: {  	_ =	shalt  }
tec
execute0_lowered:
.L_overlay_start_1:
0x0: {  	(tag) =	ssettag $0x1  }
0x1: {  	s3 =	rddreg [dreg:$0x0];
	s1 =	srdreg.scid  }
0x2: {  	s0 =	stileid.u32;
	s4 =	rddreg [dreg:$0x1];
	s2 =	simm.s32 $0x0  }
0x3: {  	s12 =	simm.s32 $0x3000;
	s13 =	simm.s32 $0x3400;
	s14 =	simm.s32 $0x0  }
0x4: {  	s5 =	sand.u32 $0x1, s1;
	s6 =	sshll.u32 s0, $0x1;
	[smem:$0x7FF] =	sst s2  }
0x5: {  	s1 =	rddreg [dreg:$0x2];
	s6 =	sor.u32 s5, s6;
	_ =	strace $0x80000047  }
0x6: {  	s5 =	ssub.s32 $0x2, s5;
	s7 =	sshll.u32 s6, $0xA;
	s8 =	sshll.u32 s6, $0x8  }
0x7: {  	s6 =	sshll.u32 s6, $0x7;
	s9 =	sshrl.u32 s5, $0x1;
	s7 =	sadd.s32 s7, s3  }
0x8: {  	s10 =	sadd.s32 s8, s3;
	s11 =	sadd.s32 s6, s3;
	s9 =	ssub.s32 s5, s9  }
0x9: {  	s4 =	sadd.s32 s4, s8;
	s3 =	sadd.s32 $0x1000, s7;
	s5 =	sadd.s32 $0x9000, s10  }
0xa: {  	s6 =	sadd.s32 $0xB000, s11;
	s7 =	sadd.s32 $0xC000, s11;
	s8 =	smax.u32 s9, $0x1  }
0xb: {  	v0 =	vlaneseq.u32;
	v1 =	vimm.s32 $0x0;
	s9 =	simm.s32 $0x1;
	s10 =	simm.s32 $0x2000;
	s11 =	simm.s32 $0x2800  }
.LBB2_1:
0xc: {  	v2 =	vor.u32 s2, v0  }
0xd: {  	v3 =	vshll.u32 v2, $0x3  }
0xe: {  	[tilespmem:s2], [sflag:$0x1] =	stream.linear.gather [hbm4b:s3+s2], $0x2000, $0x38;
	v4 =	vor.u32 $0x1, v3;
	[tilespmem:$0x3800] =	vst v63  }
0xf: {  	_ =	swait.ge [sflag:s9], $0x2000  }
0x10: {  	[sflag:s9] =	ssyncset.done $0x0;
	v5 =	vor.u32 $0x2, v3  }
0x11: {  	[sflag:s9] =	ssyncadd.s32 $0xFFFFE000  }
0x12: {  	v6 =	vor.u32 $0x3, v3;
	v7 =	vld.idx.msk [tilespmem:v3+s2+$0x0], $0xffff  }
0x13: {  	v4 =	vld.idx.msk [tilespmem:v4+s2+$0x0], $0xffff  }
0x14: {  	v8 =	vor.u32 $0x4, v3  }
0x15: {  	v5 =	vld.idx.msk [tilespmem:v5+s2+$0x0], $0xffff  }
0x16: {  	v9 =	vor.u32 $0x5, v3  }
0x17: {  	v10 =	vld.idx.msk [tilespmem:v6+s2+$0x0], $0xffff  }
0x18: {  	v6 =	vor.u32 $0x6, v3;
	vm0 =	vgt.f32 v4, v7  }
0x19: {  	v11 =	vld.idx.msk [tilespmem:v8+s2+$0x0], $0xffff;
	v8 =	vsel vm0, v4, v7  }
0x1a: {  	v3 =	vor.u32 $0x7, v3;
	vm1 =	vgt.f32 v5, v8  }
0x1b: {  	v12 =	vld.idx.msk [tilespmem:v9+s2+$0x0], $0xffff;
	v8 =	vsel vm1, v5, v8  }
0x1c: {  	vm2 =	vgt.f32 v10, v8  }
0x1d: {  	v13 =	vld.idx.msk [tilespmem:v6+s2+$0x0], $0xffff;
	v6 =	vsel vm2, v10, v8  }
0x1e: {  	vm3 =	vgt.f32 v11, v6  }
0x1f: {  	v14 =	vld.idx.msk [tilespmem:v3+s2+$0x0], $0xffff;
	v3 =	vsel vm0, $0x1, v1;
	v6 =	vsel vm3, v11, v6  }
0x20: {  	v3 =	vsel vm1, $0x2, v3;
	vm6 =	vgt.f32 v12, v6  }
0x21: {  	v3 =	vsel vm2, $0x3, v3;
	v6 =	vsel vm6, v12, v6  }
0x22: {  	v3 =	vsel vm3, $0x4, v3;
	vm1 =	vgt.f32 v13, v6  }
0x23: {  	v3 =	vsel vm6, $0x5, v3;
	v15 =	vsel vm1, v13, v6  }
0x24: {  	v3 =	vsel vm1, $0x6, v3;
	vm0 =	vgt.f32 v14, v15  }
0x25: {  	v19 =	vsel vm0, $0x7, v3  }
0x26: {  	vm7 =	vgt.f32 v7, $-1.000000000e+00;
	vm8 =	vne.s32 v19, $0x0  }
0x27: {  	vm2 =	vmand vm7, vm8  }
0x28: {  	v3 =	vnsel vm2, $0xBF800000, v7  }
0x29: {  	vm9 =	vne.s32 v19, $0x1;
	vm2 =	vgt.f32 v4, v3  }
0x2a: {  	vm2 =	vmand vm9, vm2  }
0x2b: {  	v21 =	vimm.f32 $0.0e+00;
	v3 =	vsel vm2, v4, v3  }
0x2c: {  	v30 =	vshll.u32 v2, $0x1;
	vm4 =	vne.s32 v19, $0x2;
	vm10 =	vgt.f32 v5, v3  }
0x2d: {  	v20 =	vor.u32 $0x1, v30;
	v9 =	vadd.f32 v7, v21;
	vm3 =	vmand vm4, vm10  }
0x2e: {  	v8 =	vadd.f32 v4, v21;
	v2 =	vadd.f32 v14, v21;
	v16 =	vsel vm3, v5, v3  }
0x2f: {  	v6 =	vadd.f32 v10, v21;
	vm5 =	vne.s32 v19, $0x3;
	vm11 =	vgt.f32 v10, v16  }
0x30: {  	v22 =	vsel vm0, v14, v15;
	vm6 =	vne.s32 v19, $0x4;
	vm4 =	vmand vm5, vm11  }
0x31: {  	vm14 =	veq.s32 v19, $0x5;
	vm7 =	veq.s32 v19, $0x2;
	v10 =	vsel vm4, v10, v16  }
0x32: {  	vm8 =	veq.s32 v19, $0x0;
	v7 =	vadd.f32 v5, v21;
	vm12 =	vgt.f32 v11, v10  }
0x33: {  	vm9 =	veq.s32 v19, $0x1;
	v4 =	vadd.f32 v12, v21;
	vm5 =	vmand vm6, vm12  }
0x34: {  	v15 =	vsel vm9, $0x3F800000, v1;
	vm10 =	vne.s32 v19, $0x5;
	v10 =	vsel vm5, v11, v10  }
0x35: {  	v5 =	vadd.f32 v11, v21;
	v3 =	vadd.f32 v13, v21;
	vm13 =	vgt.f32 v12, v10  }
0x36: {  	vm11 =	vne.s32 v19, $0x6;
	v16 =	vsel vm8, $0x3F800000, v1;
	vm10 =	vmand vm10, vm13  }
0x37: {  	vm6 =	veq.s32 v19, $0x4;
	v11 =	vsel vm2, $0x1, v1;
	v10 =	vsel vm10, v12, v10  }
0x38: {  	vm12 =	vmneg vm0;
	v11 =	vsel vm3, $0x2, v11;
	vm15 =	vgt.f32 v13, v10  }
0x39: {  	vm2 =	veq.s32 v19, $0x3;
	v11 =	vsel vm4, $0x3, v11;
	vm3 =	vmand vm11, vm15  }
0x3a: {  	v18 =	vsel vm6, $0x3F800000, v1;
	v11 =	vsel vm5, $0x4, v11;
	v10 =	vsel vm3, v13, v10  }
0x3b: {  	vm1 =	vmand vm12, vm1;
	v11 =	vsel vm10, $0x5, v11;
	vm13 =	vgt.f32 v14, v10  }
0x3c: {  	v12 =	vsel vm14, $0x3F800000, v1;
	v11 =	vsel vm3, $0x6, v11;
	vm5 =	vmand vm13, vm12  }
0x3d: {  	v13 =	vsel vm7, $0x3F800000, v1;
	v24 =	vsel vm5, v14, v10;
	v25 =	vsel vm5, $0x7, v11  }
0x3e: {  	vm4 =	vmneg vm5;
	v14 =	vsel vm1, $0x3F800000, v1;
	v10 =	vadd.f32 v24, v22  }
0x3f: {  	vm6 =	veq.s32 v25, $0x0;
	vm14 =	veq.s32 v25, $0x4;
	vm15 =	veq.s32 v25, $0x2  }
0x40: {  	vm12 =	veq.s32 v25, $0x1;
	vm13 =	veq.s32 v25, $0x3;
	v10 =	vadd.f32 $9.999999680e-21, v10  }
0x41: {  	v11 =	vsel vm15, $0x3F800000, v1;
	v23 =	vsel vm13, $0x3F800000, v1;
	v26 =	vsel vm14, $0x3F800000, v1  }
0x42: {  	vm15 =	veq.s32 v25, $0x5;
	v11 =	vadd.f32 v11, v13;
	(erf) = vrcp.f32 v10  }
0x43: {  	vm14 =	vmand vm4, vm3;
	v17 =	vsel vm15, $0x3F800000, v1;
	v26 =	vadd.f32 v26, v18  }
0x44: {  	v10 =	vsel vm6, $0x3F800000, v1;
	v13 =	vadd.f32 v11, v21;
	v11 =	vsel vm12, $0x3F800000, v1  }
0x45: {  	v10 =	vadd.f32 v10, v16;
	v16 =	vsel vm14, $0x3F800000, v1;
	v11 =	vadd.f32 v11, v15  }
0x46: {  	v12 =	vadd.f32 v17, v12;
	v15 =	vsel vm5, $0x3F800000, v1;
	v14 =	vadd.f32 v16, v14  }
0x47: {  	v17 =	vadd.f32 v10, v21;
	v16 =	vadd.f32 v11, v21;
	v11 =	vsel vm2, $0x3F800000, v1  }
0x48: {  	v10 =	vadd.f32 v12, v21;
	v12 =	vadd.f32 v23, v11;
	v11 =	vsel vm0, $0x3F800000, v1  }
0x49: {  	s15 =	simm.s32 $0x10;
	v27 =	vadd.f32 v15, v11  }
0x4a: {  	v18 =	vor.u32 s15, v0;
	v11 =	vadd.f32 v14, v21;
	v14 =	vadd.f32 v26, v21  }
0x4b: {  	v23 =	vshll.u32 v18, $0x3;
	v15 =	vadd.f32 v12, v21;
	v12 =	vadd.f32 v27, v21;
	v21 =	vpop (erf)  }
0x4c: {  	[tilespmem:v30+s10+$0x0] =	vst.idx.msk $0xffff, v19;
	v26 =	vor.u32 $0x1, v23;
	v28 =	vor.u32 $0x2, v23;
	v19 =	vmul.f32 v21, v22  }
0x4d: {  	[tilespmem:v20+s10+$0x0] =	vst.idx.msk $0xffff, v25;
	v25 =	vor.u32 $0x4, v23;
	v27 =	vor.u32 $0x3, v23;
	v29 =	vmul.f32 v21, v24  }
0x4e: {  	s15 =	simm.s32 $0x20;
	v24 =	vor.u32 $0x5, v23;
	v22 =	vor.u32 $0x6, v23;
	v21 =	vor.u32 $0x7, v23;
	[tilespmem:v30+s11+$0x0] =	vst.idx.msk $0xffff, v19  }
.LBB2_2:
0x4f: {  	p0 =	sne.s32 s15, $0x3F0;
	[tilespmem:v20+s11+$0x0] =	vst.idx.msk $0xffff, v29;
	s16 =	smov.u32 s15;
	s15 =	sadd.s32 $0x10, s15  }
0x50: {  	v20 =	vld.idx.msk [tilespmem:v23+s2+$0x0], $0xffff  }
0x51: {  	v23 =	vld.idx.msk [tilespmem:v26+s2+$0x0], $0xffff;
	_ =	sdelay $0x1  }
0x52: {  	v26 =	vld.idx.msk [tilespmem:v28+s2+$0x0], $0xffff;
	_ =	sdelay $0x1  }
0x53: {  	v27 =	vld.idx.msk [tilespmem:v27+s2+$0x0], $0xffff  }
0x54: {  	v9 =	vadd.f32 v20, v9  }
0x55: {  	vm0 =	vgt.f32 v23, v20;
	v8 =	vadd.f32 v23, v8;
	v25 =	vld.idx.msk [tilespmem:v25+s2+$0x0], $0xffff  }
0x56: {  	v19 =	vsel vm0, v23, v20  }
0x57: {  	vm1 =	vgt.f32 v26, v19;
	v7 =	vadd.f32 v26, v7;
	v24 =	vld.idx.msk [tilespmem:v24+s2+$0x0], $0xffff  }
0x58: {  	v19 =	vsel vm1, v26, v19  }
0x59: {  	vm2 =	vgt.f32 v27, v19;
	v6 =	vadd.f32 v27, v6;
	v22 =	vld.idx.msk [tilespmem:v22+s2+$0x0], $0xffff  }
0x5a: {  	v19 =	vsel vm2, v27, v19  }
0x5b: {  	vm3 =	vgt.f32 v25, v19;
	v5 =	vadd.f32 v25, v5;
	v28 =	vld.idx.msk [tilespmem:v21+s2+$0x0], $0xffff  }
0x5c: {  	v21 =	vsel vm0, $0x1, v1;
	v19 =	vsel vm3, v25, v19  }
0x5d: {  	v21 =	vsel vm1, $0x2, v21;
	vm0 =	vgt.f32 v24, v19;
	v4 =	vadd.f32 v24, v4  }
0x5e: {  	v21 =	vsel vm2, $0x3, v21;
	v29 =	vsel vm0, v24, v19;
	v19 =	vshll.u32 v18, $0x1  }
0x5f: {  	v18 =	vsel vm3, $0x4, v21;
	vm2 =	vgt.f32 v22, v29;
	v3 =	vadd.f32 v22, v3  }
0x60: {  	v18 =	vsel vm0, $0x5, v18;
	v21 =	vsel vm2, v22, v29  }
0x61: {  	v18 =	vsel vm2, $0x6, v18;
	vm0 =	vgt.f32 v28, v21;
	v2 =	vadd.f32 v28, v2  }
0x62: {  	v21 =	vsel vm0, v28, v21;
	v18 =	vsel vm0, $0x7, v18  }
0x63: {  	vm1 =	vgt.f32 v20, $-1.000000000e+00;
	vm4 =	vne.s32 v18, $0x0;
	vm3 =	veq.s32 v18, $0x2;
	[tilespmem:v19+s10+$0x0] =	vst.idx.msk $0xffff, v18  }
0x64: {  	vm5 =	veq.s32 v18, $0x0;
	vm1 =	vmand vm1, vm4;
	vm4 =	veq.s32 v18, $0x4  }
0x65: {  	vm6 =	veq.s32 v18, $0x1;
	vm7 =	veq.s32 v18, $0x5;
	v20 =	vnsel vm1, $0xBF800000, v20  }
0x66: {  	vm9 =	vne.s32 v18, $0x1;
	vm1 =	veq.s32 v18, $0x3;
	vm8 =	vgt.f32 v23, v20  }
0x67: {  	vm8 =	vmand vm9, vm8  }
0x68: {  	v20 =	vsel vm8, v23, v20  }
0x69: {  	vm10 =	vne.s32 v18, $0x2;
	vm9 =	vgt.f32 v26, v20  }
0x6a: {  	vm9 =	vmand vm10, vm9  }
0x6b: {  	v20 =	vsel vm9, v26, v20  }
0x6c: {  	v23 =	vsel vm8, $0x1, v1;
	vm10 =	vne.s32 v18, $0x3;
	vm8 =	vgt.f32 v27, v20  }
0x6d: {  	v23 =	vsel vm9, $0x2, v23;
	vm8 =	vmand vm10, vm8  }
0x6e: {  	v20 =	vsel vm8, v27, v20;
	v23 =	vsel vm8, $0x3, v23  }
0x6f: {  	vm9 =	vne.s32 v18, $0x4;
	vm8 =	vgt.f32 v25, v20  }
0x70: {  	vm8 =	vmand vm9, vm8  }
0x71: {  	v20 =	vsel vm8, v25, v20;
	v23 =	vsel vm8, $0x4, v23  }
0x72: {  	vm9 =	vne.s32 v18, $0x5;
	vm8 =	vgt.f32 v24, v20  }
0x73: {  	vm8 =	vmand vm9, vm8  }
0x74: {  	v24 =	vsel vm8, v24, v20;
	v23 =	vsel vm8, $0x5, v23  }
0x75: {  	vm9 =	vne.s32 v18, $0x6;
	v18 =	vsel vm7, $0x3F800000, v1;
	vm8 =	vgt.f32 v22, v24  }
0x76: {  	v25 =	vsel vm6, $0x3F800000, v1;
	v20 =	vor.u32 $0x1, v19;
	vm7 =	vmand vm9, vm8  }
0x77: {  	v22 =	vsel vm7, v22, v24;
	v23 =	vsel vm7, $0x6, v23;
	v24 =	vsel vm5, $0x3F800000, v1  }
0x78: {  	v26 =	vsel vm3, $0x3F800000, v1;
	vm5 =	vmneg vm0;
	vm6 =	vgt.f32 v28, v22  }
0x79: {  	v27 =	vsel vm4, $0x3F800000, v1;
	vm2 =	vmand vm5, vm2;
	vm3 =	vmand vm6, vm5  }
0x7a: {  	v22 =	vsel vm3, v28, v22;
	v23 =	vsel vm3, $0x7, v23;
	vm4 =	vmneg vm3  }
0x7b: {  	v28 =	vadd.f32 v22, v21;
	vm5 =	veq.s32 v23, $0x0;
	vm6 =	veq.s32 v23, $0x4;
	[tilespmem:v20+s10+$0x0] =	vst.idx.msk $0xffff, v23  }
0x7c: {  	vm8 =	veq.s32 v23, $0x1;
	vm9 =	veq.s32 v23, $0x2;
	vm10 =	veq.s32 v23, $0x3  }
0x7d: {  	v30 =	vsel vm2, $0x3F800000, v1;
	v29 =	vsel vm9, $0x3F800000, v1;
	v28 =	vadd.f32 $9.999999680e-21, v28  }
0x7e: {  	v31 =	vsel vm6, $0x3F800000, v1;
	v26 =	vadd.f32 v29, v26;
	v29 =	vsel vm10, $0x3F800000, v1  }
0x7f: {  	vm2 =	vmand vm4, vm7;
	v32 =	vsel vm5, $0x3F800000, v1;
	(erf) = vrcp.f32 v28  }
0x80: {  	vm4 =	veq.s32 v23, $0x5;
	v23 =	vsel vm2, $0x3F800000, v1;
	v13 =	vadd.f32 v26, v13  }
0x81: {  	v24 =	vadd.f32 v32, v24;
	v26 =	vsel vm8, $0x3F800000, v1;
	v28 =	vsel vm4, $0x3F800000, v1  }
0x82: {  	v25 =	vadd.f32 v26, v25;
	v26 =	vsel vm3, $0x3F800000, v1;
	v18 =	vadd.f32 v28, v18  }
0x83: {  	v23 =	vadd.f32 v23, v30;
	v17 =	vadd.f32 v24, v17  }
0x84: {  	v24 =	vsel vm1, $0x3F800000, v1;
	v16 =	vadd.f32 v25, v16;
	v10 =	vadd.f32 v18, v10  }
0x85: {  	v11 =	vadd.f32 v23, v11;
	v28 =	vadd.f32 v29, v24;
	v18 =	vsel vm0, $0x3F800000, v1  }
0x86: {  	v25 =	vadd.f32 v31, v27;
	v26 =	vadd.f32 v26, v18  }
.Ltmp0:
0x87: {  	v15 =	vadd.f32 v28, v15;
	v18 =	vor.u32 s16, v0;
	(pc) =	sbr.rel @p0 .LBB2_2-.Ltmp0, $4  }
0x88: {  	v14 =	vadd.f32 v25, v14;
	v23 =	vshll.u32 v18, $0x3;
	v12 =	vadd.f32 v26, v12;
	v24 =	vpop (erf)  }
0x89: {  	v26 =	vor.u32 $0x1, v23;
	v30 =	vmul.f32 v24, v21;
	v29 =	vmul.f32 v24, v22  }
0x8a: {  	v28 =	vor.u32 $0x2, v23;
	v27 =	vor.u32 $0x3, v23;
	v25 =	vor.u32 $0x4, v23  }
0x8b: {  	v24 =	vor.u32 $0x5, v23;
	v22 =	vor.u32 $0x6, v23;
	v21 =	vor.u32 $0x7, v23;
	[tilespmem:v19+s11+$0x0] =	vst.idx.msk $0xffff, v30  }
0x8c: {  	_ =	sdelay $0x3  }
0x8d: {  	[tilespmem:v20+s11+$0x0] =	vst.idx.msk $0xffff, v29  }
0x8e: {  	v23 =	vld.idx.msk [tilespmem:v23+s2+$0x0], $0xffff  }
0x8f: {  	v26 =	vld.idx.msk [tilespmem:v26+s2+$0x0], $0xffff;
	_ =	sdelay $0x1  }
0x90: {  	v28 =	vld.idx.msk [tilespmem:v28+s2+$0x0], $0xffff;
	_ =	sdelay $0x1  }
0x91: {  	v27 =	vld.idx.msk [tilespmem:v27+s2+$0x0], $0xffff  }
0x92: {  	vm0 =	vgt.f32 v26, v23  }
0x93: {  	v25 =	vld.idx.msk [tilespmem:v25+s2+$0x0], $0xffff;
	v19 =	vsel vm0, v26, v23  }
0x94: {  	vm1 =	vgt.f32 v28, v19  }
0x95: {  	v24 =	vld.idx.msk [tilespmem:v24+s2+$0x0], $0xffff;
	v19 =	vsel vm1, v28, v19  }
0x96: {  	vm2 =	vgt.f32 v27, v19  }
0x97: {  	v20 =	vld.idx.msk [tilespmem:v22+s2+$0x0], $0xffff;
	v33 =	vsel vm2, v27, v19  }
0x98: {  	vm3 =	vgt.f32 v25, v33  }
0x99: {  	v34 =	vld.idx.msk [tilespmem:v21+s2+$0x0], $0xffff;
	v35 =	vsel vm0, $0x1, v1;
	v22 =	vsel vm3, v25, v33  }
0x9a: {  	v21 =	vsel vm1, $0x2, v35;
	vm7 =	vgt.f32 v24, v22  }
0x9b: {  	v21 =	vsel vm2, $0x3, v21;
	v22 =	vsel vm7, v24, v22  }
0x9c: {  	v21 =	vsel vm3, $0x4, v21;
	vm1 =	vgt.f32 v20, v22  }
0x9d: {  	v21 =	vsel vm7, $0x5, v21;
	v22 =	vsel vm1, v20, v22  }
0x9e: {  	v21 =	vsel vm1, $0x6, v21;
	vm0 =	vgt.f32 v34, v22  }
0x9f: {  	v21 =	vsel vm0, $0x7, v21  }
0xa0: {  	vm8 =	vgt.f32 v23, $-1.000000000e+00;
	vm9 =	vne.s32 v21, $0x0  }
0xa1: {  	vm2 =	vmand vm8, vm9  }
0xa2: {  	v36 =	vnsel vm2, $0xBF800000, v23  }
0xa3: {  	vm10 =	vne.s32 v21, $0x1;
	vm2 =	vgt.f32 v26, v36  }
0xa4: {  	vm5 =	vmand vm10, vm2  }
0xa5: {  	v29 =	vsel vm5, v26, v36  }
0xa6: {  	vm12 =	vne.s32 v21, $0x2;
	vm11 =	vgt.f32 v28, v29  }
0xa7: {  	vm6 =	vmand vm12, vm11  }
0xa8: {  	v29 =	vsel vm6, v28, v29  }
0xa9: {  	vm14 =	vne.s32 v21, $0x3;
	vm13 =	vgt.f32 v27, v29  }
0xaa: {  	vm7 =	vmand vm14, vm13  }
0xab: {  	v29 =	vsel vm7, v27, v29  }
0xac: {  	vm8 =	vne.s32 v21, $0x4;
	vm15 =	vgt.f32 v25, v29  }
0xad: {  	vm8 =	vmand vm8, vm15  }
0xae: {  	v29 =	vsel vm8, v25, v29  }
0xaf: {  	vm10 =	vne.s32 v21, $0x5;
	vm9 =	vgt.f32 v24, v29  }
0xb0: {  	vm9 =	vmand vm10, vm9  }
0xb1: {  	v29 =	vsel vm9, v24, v29  }
0xb2: {  	vm12 =	vne.s32 v21, $0x6;
	vm11 =	vgt.f32 v20, v29  }
0xb3: {  	vm3 =	vmand vm12, vm11  }
0xb4: {  	v29 =	vsel vm3, v20, v29  }
0xb5: {  	vm4 =	vmneg vm0;
	vm13 =	vgt.f32 v34, v29  }
0xb6: {  	vm2 =	vmand vm13, vm4  }
0xb7: {  	v22 =	vsel vm0, v34, v22;
	v29 =	vsel vm2, v34, v29  }
0xb8: {  	v30 =	vadd.f32 v29, v22;
	_ =	sdelay $0x1  }
0xb9: {  	v30 =	vadd.f32 $9.999999680e-21, v30;
	_ =	sdelay $0x1  }
0xba: {  	(erf) = vrcp.f32 v30  }
0xbb: {  	v37 =	vsel vm5, $0x1, v1  }
0xbc: {  	v30 =	vsel vm6, $0x2, v37  }
0xbd: {  	v30 =	vsel vm7, $0x3, v30  }
0xbe: {  	v38 =	vsel vm8, $0x4, v30  }
0xbf: {  	v18 =	vshll.u32 v18, $0x1;
	v9 =	vadd.f32 v23, v9;
	v23 =	vsel vm9, $0x5, v38  }
0xc0: {  	v39 =	vor.u32 $0x1, v18;
	v8 =	vadd.f32 v26, v8;
	v23 =	vsel vm3, $0x6, v23  }
0xc1: {  	v7 =	vadd.f32 v28, v7;
	v6 =	vadd.f32 v27, v6;
	v23 =	vsel vm2, $0x7, v23  }
0xc2: {  	v5 =	vadd.f32 v25, v5;
	vm14 =	veq.s32 v21, $0x0;
	vm15 =	veq.s32 v23, $0x0  }
0xc3: {  	v40 =	vsel vm14, $0x3F800000, v1;
	vm12 =	veq.s32 v21, $0x1;
	v41 =	vsel vm15, $0x3F800000, v1;
	v42 =	vpop (erf)  }
0xc4: {  	[tilespmem:v18+s10+$0x0] =	vst.idx.msk $0xffff, v21;
	vm13 =	veq.s32 v23, $0x1;
	v27 =	vadd.f32 v41, v40;
	v22 =	vmul.f32 v42, v22  }
0xc5: {  	v43 =	vsel vm12, $0x3F800000, v1;
	[tilespmem:v39+s10+$0x0] =	vst.idx.msk $0xffff, v23;
	v31 =	vsel vm13, $0x3F800000, v1;
	v29 =	vmul.f32 v42, v29  }
0xc6: {  	v28 =	vadd.f32 v31, v43;
	v17 =	vadd.f32 v27, v17;
	[tilespmem:v18+s11+$0x0] =	vst.idx.msk $0xffff, v22  }
0xc7: {  	v4 =	vadd.f32 v24, v4;
	v3 =	vadd.f32 v20, v3;
	[tilespmem:v39+s11+$0x0] =	vst.idx.msk $0xffff, v29  }
0xc8: {  	v2 =	vadd.f32 v34, v2;
	vm1 =	vmand vm4, vm1;
	v16 =	vadd.f32 v28, v16;
	[tilespmem:$0x3000] =	vst v17  }
0xc9: {  	v60 =	vsel vm0, $0x3F800000, v1;
	v56 =	vsel vm1, $0x3F800000, v1;
	vm5 =	veq.s32 v21, $0x4;
	[tilespmem:$0x3400] =	vst v9  }
0xca: {  	v51 =	vsel vm5, $0x3F800000, v1;
	vm12 =	veq.s32 v21, $0x5;
	v59 =	vsel vm2, $0x3F800000, v1;
	[tilespmem:$0x3080] =	vst v16  }
0xcb: {  	v50 =	vsel vm12, $0x3F800000, v1;
	v62 =	vadd.f32 v59, v60;
	vm15 =	veq.s32 v21, $0x3;
	[tilespmem:$0x3480] =	vst v8  }
0xcc: {  	vm6 =	veq.s32 v21, $0x2;
	v47 =	vsel vm15, $0x3F800000, v1;
	vm15 =	vmneg vm2;
	[tilespmem:$0x3500] =	vst v7  }
0xcd: {  	v63 =	vadd.f32 v62, v12;
	v44 =	vsel vm6, $0x3F800000, v1;
	vm3 =	vmand vm15, vm3;
	[tilespmem:$0x3580] =	vst v6  }
0xce: {  	vm14 =	veq.s32 v23, $0x2;
	vm11 =	veq.s32 v23, $0x3;
	v57 =	vsel vm3, $0x3F800000, v1;
	[tilespmem:$0x3600] =	vst v5  }
0xcf: {  	v45 =	vsel vm14, $0x3F800000, v1;
	v46 =	vsel vm11, $0x3F800000, v1;
	v58 =	vadd.f32 v57, v56;
	[tilespmem:$0x3680] =	vst v4  }
0xd0: {  	vm13 =	veq.s32 v23, $0x4;
	vm14 =	veq.s32 v23, $0x5;
	v18 =	vadd.f32 v45, v44;
	[tilespmem:$0x3700] =	vst v3  }
0xd1: {  	v52 =	vsel vm13, $0x3F800000, v1;
	v49 =	vadd.f32 v46, v47;
	v61 =	vadd.f32 v58, v11;
	[tilespmem:$0x3380] =	vst v63  }
0xd2: {  	v54 =	vsel vm14, $0x3F800000, v1;
	v53 =	vadd.f32 v52, v51;
	v48 =	vadd.f32 v18, v13;
	[tilespmem:$0x3780] =	vst v2  }
0xd3: {  	v55 =	vadd.f32 v54, v50;
	v13 =	vadd.f32 v49, v15;
	[tilespmem:$0x3300] =	vst v61  }
0xd4: {  	v8 =	vadd.f32 v53, v14;
	[tilespmem:$0x3100] =	vst v48  }
0xd5: {  	v7 =	vadd.f32 v55, v10;
	[tilespmem:$0x3180] =	vst v13  }
0xd6: {  	[tilespmem:$0x3200] =	vst v8  }
0xd7: {  	[tilespmem:$0x3280] =	vst v7  }
0xd8: {  	[hbm4b:s4+s2] =	stream.linear.scatter [tilespmem:s10], [sflag:$0x1], $0x800, $0x38;
	[tilespmem:$0x3800] =	vst v63  }
0xd9: {  	_ =	swait.ge [sflag:s9], $0x800  }
0xda: {  	[sflag:s9] =	ssyncset.done $0x0  }
0xdb: {  	[sflag:s9] =	ssyncadd.s32 $0xFFFFF800  }
0xdc: {  	[hbm4b:s5+s2] =	stream.linear.scatter [tilespmem:s11], [sflag:$0x1], $0x800, $0x38;
	[tilespmem:$0x3800] =	vst v63  }
0xdd: {  	_ =	swait.ge [sflag:s9], $0x800  }
0xde: {  	[sflag:s9] =	ssyncset.done $0x0  }
0xdf: {  	[sflag:s9] =	ssyncadd.s32 $0xFFFFF800  }
0xe0: {  	[hbm4b:s6+s2] =	stream.linear.scatter [tilespmem:s12], [sflag:$0x1], $0x400, $0x38;
	[tilespmem:$0x3800] =	vst v63  }
0xe1: {  	s14 =	sadd.s32 $0x1, s14;
	_ =	swait.ge [sflag:s9], $0x400  }
0xe2: {  	p0 =	sne.s32 s14, s8;
	[sflag:s9] =	ssyncset.done $0x0  }
.Ltmp1:
0xe3: {  	[sflag:s9] =	ssyncadd.s32 $0xFFFFFC00;
	(pc) =	sbr.rel @p0 .LBB2_1-.Ltmp1, $4  }
0xe4: {  	[hbm4b:s7+s2] =	stream.linear.scatter [tilespmem:s13], [sflag:$0x1], $0x400, $0x38;
	[tilespmem:$0x3800] =	vst v63  }
0xe5: {  	_ =	swait.ge [sflag:s9], $0x400  }
0xe6: {  	[sflag:s9] =	ssyncset.done $0x0  }
0xe7: {  	[sflag:s9] =	ssyncadd.s32 $0xFFFFFC00  }
0xe8: {  	_ =	sfence.sel $0x180000  }
0xe9: {  	[bflag:$0x0] =	sbarrier.arrive $0xFFFF  }
0xea: {  	p0 =	sne.s32 s0, $0x0;
	_ =	strace $0x90000047  }
0xeb: {  	s0 =	sadd.s32 @!p0 $0x100000, s1;
	[bflag:$0x2] =	sbarrier.arrive $0xFFFF  }
0xec: {  	[sflag:s0] =	ssyncadd.tile.s32 @!p0 $0x1;
	_ =	shalt  }
.Lfunc_end2:
_tile_overlayer_lowered:
.L_overlay_start_2:
0xed: {  	(tag) =	ssettag $0x2  }
0xee: {  	s0 =	rddreg [dreg:$0x0];
	s2 =	stileid.u32  }
0xef: {  	s1 =	rddreg [dreg:$0x1];
	p0 =	sne.s32 s2, $0x0  }
0xf0: {  	s3 =	rddreg [dreg:$0x2];
	[bflag:$0x3] =	sbarrier.arrive $0xFFFF;
	s2 =	simm.s32 @!p0 $0x1C01  }
0xf1: {  	[timem:s3], [sflag:s2] =	dma.local @!p0 [hbm:s0], s1  }
0xf2: {  	s0 =	simm.s32 @!p0 $0x1  }
0xf3: {  	_ =	swait.ge @!p0 [sflag:s0], s1  }
0xf4: {  	s1 =	ssub.s32 @!p0 $0x0, s1;
	[sflag:s0] =	ssyncset.done @!p0 $0x0  }
0xf5: {  	[sflag:s0] =	ssyncadd.s32 @!p0 s1  }
0xf6: {  	[bflag:$0x3] =	sbarrier.arrive $0xFFFF  }
0xf7: {  	_ =	shalt  }

</sc_bundles>
